<compile_context>
chip_gen: v7x
topology: tpu7x:2x2x1
jax: 0.10.2.dev20260603
libtpu: 0.0.44.dev20260713+nightly
codegen_flags: <defaults>
</compile_context>

<pallas_src>
import jax
import jax.numpy as jnp
from jax import lax
from jax.experimental import pallas as pl
from jax.experimental.pallas import tpu as pltpu
from jax.experimental.pallas import tpu_sc as plsc

NUM_SC_CORES = 2
NUM_SUBCORES = 16
NW = NUM_SC_CORES * NUM_SUBCORES
BATCH = 16384
EMBED = 64
NROWS = 1000000
RW = 8192
NBLK4 = 31
SPLIT4 = NBLK4 * RW
LASTBLK = (NROWS - 1) // RW
B_PER_W = BATCH // NW
CHUNK = 128
N_CHUNKS = B_PER_W // CHUNK


def _rne16(t):
    u = lax.bitcast_convert_type(t, jnp.uint32)
    return (u + jnp.uint32(0x7FFF) + ((u >> 16) & jnp.uint32(1))) >> 16


def _repack_body(t0, t1, t2, t3, out):
    z01 = (_rne16(t0[...]) | (_rne16(t1[...]) << 16)).T
    z23 = (_rne16(t2[...]) | (_rne16(t3[...]) << 16)).T
    out[...] = lax.bitcast_convert_type(
        jnp.concatenate([z01, z23], axis=1), jnp.int32)


def _tc_repack(tableT):
    def mk(e):
        return pl.BlockSpec(
            (EMBED, RW),
            lambda i, e=e: (0, jnp.minimum(i + e * NBLK4, LASTBLK)))
    return pl.pallas_call(
        _repack_body,
        grid=(NBLK4,),
        in_specs=[mk(0), mk(1), mk(2), mk(3)],
        out_specs=pl.BlockSpec((RW, 128), lambda i: (i, 0)),
        out_shape=jax.ShapeDtypeStruct((SPLIT4, 128), jnp.int32),
    )(tableT, tableT, tableT, tableT)


def _gather_body(tbl_hbm, idx_hbm, out_hbm, idx_v, rows_v, sem):
    wid = lax.axis_index("s") * NUM_SC_CORES + lax.axis_index("c")
    base = wid * B_PER_W
    pltpu.sync_copy(idx_hbm.at[wid], idx_v)
    copies = [
        pltpu.async_copy(tbl_hbm.at[idx_v.at[j]],
                         rows_v.at[pl.ds(j * CHUNK, CHUNK)], sem)
        for j in range(N_CHUNKS)
    ]
    for c in copies:
        c.wait()
    pltpu.sync_copy(rows_v, out_hbm.at[pl.ds(base, B_PER_W)])


def _sc_gather(packed, idx):
    mesh = plsc.VectorSubcoreMesh(core_axis_name="c", subcore_axis_name="s")
    k = pl.kernel(
        _gather_body,
        out_type=jax.ShapeDtypeStruct((BATCH, 128), jnp.int32),
        mesh=mesh,
        scratch_types=[
            pltpu.VMEM((N_CHUNKS, CHUNK), jnp.int32),
            pltpu.VMEM((B_PER_W, 128), jnp.int32),
            pltpu.SemaphoreType.DMA,
        ],
    )
    return k(packed, idx)


BLK = 4096


def _select4(g_i32, e):
    gh = jnp.where(e >= 2, g_i32[:, EMBED:], g_i32[:, :EMBED])
    bits = jnp.where((e & 1) > 0,
                     gh & jnp.int32(-65536), gh << 16)
    return lax.bitcast_convert_type(bits, jnp.float32)


def _mlp_body(gu, gi, eu, ei, w1u, w1i, b1, w2, b2, w3, b3, w4, b4, out):
    xu = _select4(gu[...], eu[...])
    xi = _select4(gi[...], ei[...])
    h = (jnp.dot(xu, w1u[...], preferred_element_type=jnp.float32)
         + jnp.dot(xi, w1i[...], preferred_element_type=jnp.float32))
    h = jnp.maximum(h + b1[...], 0.0)
    h = jnp.maximum(
        jnp.dot(h, w2[...], preferred_element_type=jnp.float32) + b2[...], 0.0)
    h = jnp.maximum(
        jnp.dot(h, w3[...], preferred_element_type=jnp.float32) + b3[...], 0.0)
    out[...] = jnp.sum(h * w4[...], axis=1) + b4[0, 0]


def _tc_mlp(gu, gi, eu, ei, w1u, w1i, b1, w2, b2, w3, b3, w4, b4):
    grid = (BATCH // BLK,)
    full = lambda i: (0, 0)
    col = lambda i: (i, 0)
    return pl.pallas_call(
        _mlp_body,
        grid=grid,
        in_specs=[
            pl.BlockSpec((BLK, 128), col),
            pl.BlockSpec((BLK, 128), col),
            pl.BlockSpec((BLK, 1), col),
            pl.BlockSpec((BLK, 1), col),
            pl.BlockSpec((EMBED, 128), full),
            pl.BlockSpec((EMBED, 128), full),
            pl.BlockSpec((1, 128), full),
            pl.BlockSpec((128, 64), full),
            pl.BlockSpec((1, 64), full),
            pl.BlockSpec((64, 32), full),
            pl.BlockSpec((1, 32), full),
            pl.BlockSpec((1, 32), full),
            pl.BlockSpec((1, 1), full),
        ],
        out_specs=pl.BlockSpec((BLK,), lambda i: (i,)),
        out_shape=jax.ShapeDtypeStruct((BATCH,), jnp.float32),
    )(gu, gi, eu, ei, w1u, w1i, b1, w2, b2, w3, b3, w4, b4)


def kernel(user_indices, item_indices, user_table, item_table,
           W1, b1, W2, b2, W3, b3, W4, b4):
    ui = user_indices.astype(jnp.int32)
    ii = item_indices.astype(jnp.int32)
    eu = ui // SPLIT4
    ei = ii // SPLIT4
    urow = (ui - eu * SPLIT4).reshape(NW, N_CHUNKS, CHUNK)
    irow = (ii - ei * SPLIT4).reshape(NW, N_CHUNKS, CHUNK)

    user_packed = _tc_repack(user_table.T)
    gu = _sc_gather(user_packed, urow)
    item_packed = _tc_repack(item_table.T)
    gi = _sc_gather(item_packed, irow)

    w1t = W1.T
    return _tc_mlp(
        gu, gi, eu.reshape(BATCH, 1), ei.reshape(BATCH, 1),
        w1t[:EMBED], w1t[EMBED:], b1.reshape(1, 128),
        W2.T, b2.reshape(1, 64),
        W3.T, b3.reshape(1, 32),
        W4, b4.reshape(1, 1))

# --- scband reference (transcript-rebuilt; emitter-appended) ---
"""Pipeline reference for scband-ncfmodel-781684048060 (READ-ONLY COPY).

The authoritative reference and input builder live on the scoring server;
editing this copy changes nothing except your own understanding.
"""

import jax, jax.numpy as jnp
import numpy as np

NUM_USERS = 1000000
NUM_ITEMS = 1000000
EMBED_DIM = 64
BATCH = 16384


def setup_inputs(seed: int = 0) -> dict:
    key = jax.random.key(seed)
    ks = jax.random.split(key, 12)
    user_indices = jax.random.randint(ks[0], (BATCH,), 0, NUM_USERS, dtype=jnp.int64 if jax.config.jax_enable_x64 else jnp.int32)
    item_indices = jax.random.randint(ks[1], (BATCH,), 0, NUM_ITEMS, dtype=jnp.int64 if jax.config.jax_enable_x64 else jnp.int32)
    user_table = jax.random.normal(ks[2], (NUM_USERS, EMBED_DIM), dtype=jnp.float32) * 0.02
    item_table = jax.random.normal(ks[3], (NUM_ITEMS, EMBED_DIM), dtype=jnp.float32) * 0.02
    # fc layers: Linear(128,128) as written in torch (weight shape [out,in])
    W1 = jax.random.normal(ks[4], (128, EMBED_DIM * 2), dtype=jnp.float32) * (1.0 / np.sqrt(EMBED_DIM * 2))
    b1 = jnp.zeros((128,), dtype=jnp.float32)
    W2 = jax.random.normal(ks[5], (64, 128), dtype=jnp.float32) * (1.0 / np.sqrt(128))
    b2 = jnp.zeros((64,), dtype=jnp.float32)
    W3 = jax.random.normal(ks[6], (32, 64), dtype=jnp.float32) * (1.0 / np.sqrt(64))
    b3 = jnp.zeros((32,), dtype=jnp.float32)
    W4 = jax.random.normal(ks[7], (1, 32), dtype=jnp.float32) * (1.0 / np.sqrt(32))
    b4 = jnp.zeros((1,), dtype=jnp.float32)
    return {
        'user_indices': user_indices,
        'item_indices': item_indices,
        'user_table': user_table,
        'item_table': item_table,
        'W1': W1, 'b1': b1,
        'W2': W2, 'b2': b2,
        'W3': W3, 'b3': b3,
        'W4': W4, 'b4': b4,
    }


def reference(user_indices, item_indices, user_table, item_table,
              W1, b1, W2, b2, W3, b3, W4, b4):
    user_emb = jnp.take(user_table, user_indices, axis=0)
    item_emb = jnp.take(item_table, item_indices, axis=0)
    concat = jnp.concatenate([user_emb, item_emb], axis=-1)
    h = jax.nn.relu(concat @ W1.T + b1)
    h = jax.nn.relu(h @ W2.T + b2)
    h = jax.nn.relu(h @ W3.T + b3)
    out = h @ W4.T + b4
    return jnp.squeeze(out, axis=-1)

if __name__ == "__main__":
    import jax
    _d = setup_inputs()
    print(jax.jit(kernel)(*tuple(_d.values())))

</pallas_src>

<mosaic_0001>
#map = affine_map<(d0, d1) -> (0, 0)>
#map1 = affine_map<(d0, d1) -> (0, 0, 0)>
module attributes {stable_mosaic.version = 14 : i64} {
  func.func @_gather_body(%arg0: i32, %arg1: i32, %arg2: memref<253952x128xi32, #tpu.memory_space<hbm>>, %arg3: memref<32x4x128xi32, #tpu.memory_space<hbm>>, %arg4: memref<16384x128xi32, #tpu.memory_space<hbm>>, %arg5: memref<4x128xi32, #tpu.memory_space<vmem>>, %arg6: memref<512x128xi32, #tpu.memory_space<vmem>>, %arg7: memref<!tpu.dma_semaphore, #tpu.memory_space<semaphore_mem>>) attributes {dimension_semantics = [#tpu.dimension_semantics<core_parallel>, #tpu.dimension_semantics<subcore_parallel>], iteration_bounds = array<i64: 2, 16>, scalar_prefetch = 0 : i64, scratch_operands = 3 : i64, tpu.core_type = #tpu.core_type<sc_vector_subcore>, window_params = [{transform_indices = #map}, {transform_indices = #map1}, {transform_indices = #map}]} {
    %mul3A = arith.constant 2 : i32
    %mul3A_0 = arith.muli %arg1, %mul3A : i32
    %add3A = arith.addi %mul3A_0, %arg0 : i32
    %mul3A_1 = arith.constant 512 : i32
    %mul3A_2 = arith.muli %add3A, %mul3A_1 : i32
    "tpu.region"() ({
      %run_scoped3A = tpu.sem_alloc : memref<!tpu.dma_semaphore, #tpu.memory_space<semaphore_mem>>
      %dma_start3A_81 = arith.constant 0 : i32
      %dma_start3A_82 = arith.constant 0 : i32
      %dma_start3A_83 = tpu.memref_slice %arg3[%add3A, %dma_start3A_81, %dma_start3A_82] : memref<32x4x128xi32, #tpu.memory_space<hbm>> -> memref<1x4x128xi32, #tpu.memory_space<hbm>>
      %dma_start3A_84 = tpu.memref_squeeze %dma_start3A_83 : memref<1x4x128xi32, #tpu.memory_space<hbm>> -> memref<4x128xi32, #tpu.memory_space<hbm>>
      %dma_start3A_85 = arith.constant 0 : i32
      %dma_start3A_86 = arith.constant 0 : i32
      %dma_start3A_87 = tpu.memref_slice %arg3[%add3A, %dma_start3A_85, %dma_start3A_86] : memref<32x4x128xi32, #tpu.memory_space<hbm>> -> memref<1x4x128xi32, #tpu.memory_space<hbm>>
      %dma_start3A_88 = tpu.memref_squeeze %dma_start3A_87 : memref<1x4x128xi32, #tpu.memory_space<hbm>> -> memref<4x128xi32, #tpu.memory_space<hbm>>
      tpu.enqueue_dma source(%dma_start3A_88 : memref<4x128xi32, #tpu.memory_space<hbm>>) target(%arg5 : memref<4x128xi32, #tpu.memory_space<vmem>>) target_semaphore(%run_scoped3A : memref<!tpu.dma_semaphore, #tpu.memory_space<semaphore_mem>>)
      %dma_wait3A_89 = arith.constant 0 : i32
      %dma_wait3A_90 = arith.constant 0 : i32
      %dma_wait3A_91 = tpu.memref_slice %arg3[%add3A, %dma_wait3A_89, %dma_wait3A_90] : memref<32x4x128xi32, #tpu.memory_space<hbm>> -> memref<1x4x128xi32, #tpu.memory_space<hbm>>
      %dma_wait3A_92 = tpu.memref_squeeze %dma_wait3A_91 : memref<1x4x128xi32, #tpu.memory_space<hbm>> -> memref<4x128xi32, #tpu.memory_space<hbm>>
      %dma_wait3A_93 = arith.constant 0 : i32
      %dma_wait3A_94 = arith.constant 0 : i32
      %dma_wait3A_95 = tpu.memref_slice %arg3[%add3A, %dma_wait3A_93, %dma_wait3A_94] : memref<32x4x128xi32, #tpu.memory_space<hbm>> -> memref<1x4x128xi32, #tpu.memory_space<hbm>>
      %dma_wait3A_96 = tpu.memref_squeeze %dma_wait3A_95 : memref<1x4x128xi32, #tpu.memory_space<hbm>> -> memref<4x128xi32, #tpu.memory_space<hbm>>
      tpu.wait_dma2 semaphore(%run_scoped3A : memref<!tpu.dma_semaphore, #tpu.memory_space<semaphore_mem>>) src(%dma_wait3A_96 : memref<4x128xi32, #tpu.memory_space<hbm>>) dst(%arg5 : memref<4x128xi32, #tpu.memory_space<vmem>>)
      tpu.yield
    }) : () -> ()
    %dma_start3A = arith.constant 0 : i32
    %dma_start3A_3 = arith.constant 0 : i32
    %dma_start3A_4 = arith.constant 0 : i32
    %dma_start3A_5 = tpu.memref_slice %arg6[%dma_start3A_3, %dma_start3A_4] : memref<512x128xi32, #tpu.memory_space<vmem>> -> memref<128x128xi32, #tpu.memory_space<vmem>>
    %dma_start3A_6 = arith.constant 0 : i32
    %dma_start3A_7 = tpu.memref_slice %arg5[%dma_start3A, %dma_start3A_6] : memref<4x128xi32, #tpu.memory_space<vmem>> -> memref<1x128xi32, #tpu.memory_space<vmem>>
    %dma_start3A_8 = tpu.memref_squeeze %dma_start3A_7 : memref<1x128xi32, #tpu.memory_space<vmem>> -> memref<128xi32, #tpu.memory_space<vmem>>
    %dma_start3A_9 = arith.constant 0 : i32
    %dma_start3A_10 = arith.constant 0 : i32
    %dma_start3A_11 = tpu.memref_slice %arg2[%dma_start3A_9, %dma_start3A_10] : memref<253952x128xi32, #tpu.memory_space<hbm>> -> memref<253952x128xi32, #tpu.memory_space<hbm>>
    tpu.enqueue_indirect_dma source(%dma_start3A_11 : memref<253952x128xi32, #tpu.memory_space<hbm>>) target(%dma_start3A_5 : memref<128x128xi32, #tpu.memory_space<vmem>>) offsets(%dma_start3A_8 : memref<128xi32, #tpu.memory_space<vmem>>) semaphore(%arg7 : memref<!tpu.dma_semaphore, #tpu.memory_space<semaphore_mem>>)
    %dma_start3A_12 = arith.constant 1 : i32
    %dma_start3A_13 = arith.constant 128 : i32
    %dma_start3A_14 = arith.constant 0 : i32
    %dma_start3A_15 = tpu.memref_slice %arg6[%dma_start3A_13, %dma_start3A_14] : memref<512x128xi32, #tpu.memory_space<vmem>> -> memref<128x128xi32, #tpu.memory_space<vmem>>
    %dma_start3A_16 = arith.constant 0 : i32
    %dma_start3A_17 = tpu.memref_slice %arg5[%dma_start3A_12, %dma_start3A_16] : memref<4x128xi32, #tpu.memory_space<vmem>> -> memref<1x128xi32, #tpu.memory_space<vmem>>
    %dma_start3A_18 = tpu.memref_squeeze %dma_start3A_17 : memref<1x128xi32, #tpu.memory_space<vmem>> -> memref<128xi32, #tpu.memory_space<vmem>>
    %dma_start3A_19 = arith.constant 0 : i32
    %dma_start3A_20 = arith.constant 0 : i32
    %dma_start3A_21 = tpu.memref_slice %arg2[%dma_start3A_19, %dma_start3A_20] : memref<253952x128xi32, #tpu.memory_space<hbm>> -> memref<253952x128xi32, #tpu.memory_space<hbm>>
    tpu.enqueue_indirect_dma source(%dma_start3A_21 : memref<253952x128xi32, #tpu.memory_space<hbm>>) target(%dma_start3A_15 : memref<128x128xi32, #tpu.memory_space<vmem>>) offsets(%dma_start3A_18 : memref<128xi32, #tpu.memory_space<vmem>>) semaphore(%arg7 : memref<!tpu.dma_semaphore, #tpu.memory_space<semaphore_mem>>)
    %dma_start3A_22 = arith.constant 2 : i32
    %dma_start3A_23 = arith.constant 256 : i32
    %dma_start3A_24 = arith.constant 0 : i32
    %dma_start3A_25 = tpu.memref_slice %arg6[%dma_start3A_23, %dma_start3A_24] : memref<512x128xi32, #tpu.memory_space<vmem>> -> memref<128x128xi32, #tpu.memory_space<vmem>>
    %dma_start3A_26 = arith.constant 0 : i32
    %dma_start3A_27 = tpu.memref_slice %arg5[%dma_start3A_22, %dma_start3A_26] : memref<4x128xi32, #tpu.memory_space<vmem>> -> memref<1x128xi32, #tpu.memory_space<vmem>>
    %dma_start3A_28 = tpu.memref_squeeze %dma_start3A_27 : memref<1x128xi32, #tpu.memory_space<vmem>> -> memref<128xi32, #tpu.memory_space<vmem>>
    %dma_start3A_29 = arith.constant 0 : i32
    %dma_start3A_30 = arith.constant 0 : i32
    %dma_start3A_31 = tpu.memref_slice %arg2[%dma_start3A_29, %dma_start3A_30] : memref<253952x128xi32, #tpu.memory_space<hbm>> -> memref<253952x128xi32, #tpu.memory_space<hbm>>
    tpu.enqueue_indirect_dma source(%dma_start3A_31 : memref<253952x128xi32, #tpu.memory_space<hbm>>) target(%dma_start3A_25 : memref<128x128xi32, #tpu.memory_space<vmem>>) offsets(%dma_start3A_28 : memref<128xi32, #tpu.memory_space<vmem>>) semaphore(%arg7 : memref<!tpu.dma_semaphore, #tpu.memory_space<semaphore_mem>>)
    %dma_start3A_32 = arith.constant 3 : i32
    %dma_start3A_33 = arith.constant 384 : i32
    %dma_start3A_34 = arith.constant 0 : i32
    %dma_start3A_35 = tpu.memref_slice %arg6[%dma_start3A_33, %dma_start3A_34] : memref<512x128xi32, #tpu.memory_space<vmem>> -> memref<128x128xi32, #tpu.memory_space<vmem>>
    %dma_start3A_36 = arith.constant 0 : i32
    %dma_start3A_37 = tpu.memref_slice %arg5[%dma_start3A_32, %dma_start3A_36] : memref<4x128xi32, #tpu.memory_space<vmem>> -> memref<1x128xi32, #tpu.memory_space<vmem>>
    %dma_start3A_38 = tpu.memref_squeeze %dma_start3A_37 : memref<1x128xi32, #tpu.memory_space<vmem>> -> memref<128xi32, #tpu.memory_space<vmem>>
    %dma_start3A_39 = arith.constant 0 : i32
    %dma_start3A_40 = arith.constant 0 : i32
    %dma_start3A_41 = tpu.memref_slice %arg2[%dma_start3A_39, %dma_start3A_40] : memref<253952x128xi32, #tpu.memory_space<hbm>> -> memref<253952x128xi32, #tpu.memory_space<hbm>>
    tpu.enqueue_indirect_dma source(%dma_start3A_41 : memref<253952x128xi32, #tpu.memory_space<hbm>>) target(%dma_start3A_35 : memref<128x128xi32, #tpu.memory_space<vmem>>) offsets(%dma_start3A_38 : memref<128xi32, #tpu.memory_space<vmem>>) semaphore(%arg7 : memref<!tpu.dma_semaphore, #tpu.memory_space<semaphore_mem>>)
    %dma_wait3A = arith.constant 0 : i32
    %dma_wait3A_42 = arith.constant 0 : i32
    %dma_wait3A_43 = arith.constant 0 : i32
    %dma_wait3A_44 = tpu.memref_slice %arg6[%dma_wait3A_42, %dma_wait3A_43] : memref<512x128xi32, #tpu.memory_space<vmem>> -> memref<128x128xi32, #tpu.memory_space<vmem>>
    %dma_wait3A_45 = arith.constant 0 : i32
    %dma_wait3A_46 = tpu.memref_slice %arg5[%dma_wait3A, %dma_wait3A_45] : memref<4x128xi32, #tpu.memory_space<vmem>> -> memref<1x128xi32, #tpu.memory_space<vmem>>
    %dma_wait3A_47 = tpu.memref_squeeze %dma_wait3A_46 : memref<1x128xi32, #tpu.memory_space<vmem>> -> memref<128xi32, #tpu.memory_space<vmem>>
    %dma_wait3A_48 = arith.constant 0 : i32
    %dma_wait3A_49 = arith.constant 0 : i32
    %dma_wait3A_50 = tpu.memref_slice %arg2[%dma_wait3A_48, %dma_wait3A_49] : memref<253952x128xi32, #tpu.memory_space<hbm>> -> memref<253952x128xi32, #tpu.memory_space<hbm>>
    tpu.wait_indirect_dma semaphore(%arg7 : memref<!tpu.dma_semaphore, #tpu.memory_space<semaphore_mem>>) src(%dma_wait3A_50 : memref<253952x128xi32, #tpu.memory_space<hbm>>) dst(%dma_wait3A_44 : memref<128x128xi32, #tpu.memory_space<vmem>>)
    %dma_wait3A_51 = arith.constant 1 : i32
    %dma_wait3A_52 = arith.constant 128 : i32
    %dma_wait3A_53 = arith.constant 0 : i32
    %dma_wait3A_54 = tpu.memref_slice %arg6[%dma_wait3A_52, %dma_wait3A_53] : memref<512x128xi32, #tpu.memory_space<vmem>> -> memref<128x128xi32, #tpu.memory_space<vmem>>
    %dma_wait3A_55 = arith.constant 0 : i32
    %dma_wait3A_56 = tpu.memref_slice %arg5[%dma_wait3A_51, %dma_wait3A_55] : memref<4x128xi32, #tpu.memory_space<vmem>> -> memref<1x128xi32, #tpu.memory_space<vmem>>
    %dma_wait3A_57 = tpu.memref_squeeze %dma_wait3A_56 : memref<1x128xi32, #tpu.memory_space<vmem>> -> memref<128xi32, #tpu.memory_space<vmem>>
    %dma_wait3A_58 = arith.constant 0 : i32
    %dma_wait3A_59 = arith.constant 0 : i32
    %dma_wait3A_60 = tpu.memref_slice %arg2[%dma_wait3A_58, %dma_wait3A_59] : memref<253952x128xi32, #tpu.memory_space<hbm>> -> memref<253952x128xi32, #tpu.memory_space<hbm>>
    tpu.wait_indirect_dma semaphore(%arg7 : memref<!tpu.dma_semaphore, #tpu.memory_space<semaphore_mem>>) src(%dma_wait3A_60 : memref<253952x128xi32, #tpu.memory_space<hbm>>) dst(%dma_wait3A_54 : memref<128x128xi32, #tpu.memory_space<vmem>>)
    %dma_wait3A_61 = arith.constant 2 : i32
    %dma_wait3A_62 = arith.constant 256 : i32
    %dma_wait3A_63 = arith.constant 0 : i32
    %dma_wait3A_64 = tpu.memref_slice %arg6[%dma_wait3A_62, %dma_wait3A_63] : memref<512x128xi32, #tpu.memory_space<vmem>> -> memref<128x128xi32, #tpu.memory_space<vmem>>
    %dma_wait3A_65 = arith.constant 0 : i32
    %dma_wait3A_66 = tpu.memref_slice %arg5[%dma_wait3A_61, %dma_wait3A_65] : memref<4x128xi32, #tpu.memory_space<vmem>> -> memref<1x128xi32, #tpu.memory_space<vmem>>
    %dma_wait3A_67 = tpu.memref_squeeze %dma_wait3A_66 : memref<1x128xi32, #tpu.memory_space<vmem>> -> memref<128xi32, #tpu.memory_space<vmem>>
    %dma_wait3A_68 = arith.constant 0 : i32
    %dma_wait3A_69 = arith.constant 0 : i32
    %dma_wait3A_70 = tpu.memref_slice %arg2[%dma_wait3A_68, %dma_wait3A_69] : memref<253952x128xi32, #tpu.memory_space<hbm>> -> memref<253952x128xi32, #tpu.memory_space<hbm>>
    tpu.wait_indirect_dma semaphore(%arg7 : memref<!tpu.dma_semaphore, #tpu.memory_space<semaphore_mem>>) src(%dma_wait3A_70 : memref<253952x128xi32, #tpu.memory_space<hbm>>) dst(%dma_wait3A_64 : memref<128x128xi32, #tpu.memory_space<vmem>>)
    %dma_wait3A_71 = arith.constant 3 : i32
    %dma_wait3A_72 = arith.constant 384 : i32
    %dma_wait3A_73 = arith.constant 0 : i32
    %dma_wait3A_74 = tpu.memref_slice %arg6[%dma_wait3A_72, %dma_wait3A_73] : memref<512x128xi32, #tpu.memory_space<vmem>> -> memref<128x128xi32, #tpu.memory_space<vmem>>
    %dma_wait3A_75 = arith.constant 0 : i32
    %dma_wait3A_76 = tpu.memref_slice %arg5[%dma_wait3A_71, %dma_wait3A_75] : memref<4x128xi32, #tpu.memory_space<vmem>> -> memref<1x128xi32, #tpu.memory_space<vmem>>
    %dma_wait3A_77 = tpu.memref_squeeze %dma_wait3A_76 : memref<1x128xi32, #tpu.memory_space<vmem>> -> memref<128xi32, #tpu.memory_space<vmem>>
    %dma_wait3A_78 = arith.constant 0 : i32
    %dma_wait3A_79 = arith.constant 0 : i32
    %dma_wait3A_80 = tpu.memref_slice %arg2[%dma_wait3A_78, %dma_wait3A_79] : memref<253952x128xi32, #tpu.memory_space<hbm>> -> memref<253952x128xi32, #tpu.memory_space<hbm>>
    tpu.wait_indirect_dma semaphore(%arg7 : memref<!tpu.dma_semaphore, #tpu.memory_space<semaphore_mem>>) src(%dma_wait3A_80 : memref<253952x128xi32, #tpu.memory_space<hbm>>) dst(%dma_wait3A_74 : memref<128x128xi32, #tpu.memory_space<vmem>>)
    "tpu.region"() ({
      %run_scoped3A = tpu.sem_alloc : memref<!tpu.dma_semaphore, #tpu.memory_space<semaphore_mem>>
      %dma_start3A_81 = arith.constant 0 : i32
      %dma_start3A_82 = tpu.memref_slice %arg4[%mul3A_2, %dma_start3A_81] : memref<16384x128xi32, #tpu.memory_space<hbm>> -> memref<512x128xi32, #tpu.memory_space<hbm>>
      %dma_start3A_83 = arith.constant 0 : i32
      %dma_start3A_84 = tpu.memref_slice %arg4[%mul3A_2, %dma_start3A_83] : memref<16384x128xi32, #tpu.memory_space<hbm>> -> memref<512x128xi32, #tpu.memory_space<hbm>>
      tpu.enqueue_dma source(%arg6 : memref<512x128xi32, #tpu.memory_space<vmem>>) target(%dma_start3A_84 : memref<512x128xi32, #tpu.memory_space<hbm>>) target_semaphore(%run_scoped3A : memref<!tpu.dma_semaphore, #tpu.memory_space<semaphore_mem>>)
      %dma_wait3A_85 = arith.constant 0 : i32
      %dma_wait3A_86 = tpu.memref_slice %arg4[%mul3A_2, %dma_wait3A_85] : memref<16384x128xi32, #tpu.memory_space<hbm>> -> memref<512x128xi32, #tpu.memory_space<hbm>>
      %dma_wait3A_87 = arith.constant 0 : i32
      %dma_wait3A_88 = tpu.memref_slice %arg4[%mul3A_2, %dma_wait3A_87] : memref<16384x128xi32, #tpu.memory_space<hbm>> -> memref<512x128xi32, #tpu.memory_space<hbm>>
      tpu.wait_dma2 semaphore(%run_scoped3A : memref<!tpu.dma_semaphore, #tpu.memory_space<semaphore_mem>>) src(%arg6 : memref<512x128xi32, #tpu.memory_space<vmem>>) dst(%dma_wait3A_88 : memref<512x128xi32, #tpu.memory_space<hbm>>)
      tpu.yield
    }) : () -> ()
    return
  }
}

#map = affine_map<(d0, d1) -> (0, 0)>
#map1 = affine_map<(d0, d1) -> (0, 0, 0)>
module attributes {stable_mosaic.version = 14 : i64} {
  func.func @_gather_body(%arg0: i32, %arg1: i32, %arg2: memref<253952x128xi32, #tpu.memory_space<hbm>>, %arg3: memref<32x4x128xi32, #tpu.memory_space<hbm>>, %arg4: memref<16384x128xi32, #tpu.memory_space<hbm>>, %arg5: memref<4x128xi32, #tpu.memory_space<vmem>>, %arg6: memref<512x128xi32, #tpu.memory_space<vmem>>, %arg7: memref<!tpu.dma_semaphore, #tpu.memory_space<semaphore_mem>>) attributes {dimension_semantics = [#tpu.dimension_semantics<core_parallel>, #tpu.dimension_semantics<subcore_parallel>], iteration_bounds = array<i64: 2, 16>, scalar_prefetch = 0 : i64, scratch_operands = 3 : i64, tpu.core_type = #tpu.core_type<sc_vector_subcore>, window_params = [{transform_indices = #map}, {transform_indices = #map1}, {transform_indices = #map}]} {
    %mul3A = arith.constant 2 : i32
    %mul3A_0 = arith.muli %arg1, %mul3A : i32
    %add3A = arith.addi %mul3A_0, %arg0 : i32
    %mul3A_1 = arith.constant 512 : i32
    %mul3A_2 = arith.muli %add3A, %mul3A_1 : i32
    "tpu.region"() ({
      %run_scoped3A = tpu.sem_alloc : memref<!tpu.dma_semaphore, #tpu.memory_space<semaphore_mem>>
      %dma_start3A_81 = arith.constant 0 : i32
      %dma_start3A_82 = arith.constant 0 : i32
      %dma_start3A_83 = tpu.memref_slice %arg3[%add3A, %dma_start3A_81, %dma_start3A_82] : memref<32x4x128xi32, #tpu.memory_space<hbm>> -> memref<1x4x128xi32, #tpu.memory_space<hbm>>
      %dma_start3A_84 = tpu.memref_squeeze %dma_start3A_83 : memref<1x4x128xi32, #tpu.memory_space<hbm>> -> memref<4x128xi32, #tpu.memory_space<hbm>>
      %dma_start3A_85 = arith.constant 0 : i32
      %dma_start3A_86 = arith.constant 0 : i32
      %dma_start3A_87 = tpu.memref_slice %arg3[%add3A, %dma_start3A_85, %dma_start3A_86] : memref<32x4x128xi32, #tpu.memory_space<hbm>> -> memref<1x4x128xi32, #tpu.memory_space<hbm>>
      %dma_start3A_88 = tpu.memref_squeeze %dma_start3A_87 : memref<1x4x128xi32, #tpu.memory_space<hbm>> -> memref<4x128xi32, #tpu.memory_space<hbm>>
      tpu.enqueue_dma source(%dma_start3A_88 : memref<4x128xi32, #tpu.memory_space<hbm>>) target(%arg5 : memref<4x128xi32, #tpu.memory_space<vmem>>) target_semaphore(%run_scoped3A : memref<!tpu.dma_semaphore, #tpu.memory_space<semaphore_mem>>)
      %dma_wait3A_89 = arith.constant 0 : i32
      %dma_wait3A_90 = arith.constant 0 : i32
      %dma_wait3A_91 = tpu.memref_slice %arg3[%add3A, %dma_wait3A_89, %dma_wait3A_90] : memref<32x4x128xi32, #tpu.memory_space<hbm>> -> memref<1x4x128xi32, #tpu.memory_space<hbm>>
      %dma_wait3A_92 = tpu.memref_squeeze %dma_wait3A_91 : memref<1x4x128xi32, #tpu.memory_space<hbm>> -> memref<4x128xi32, #tpu.memory_space<hbm>>
      %dma_wait3A_93 = arith.constant 0 : i32
      %dma_wait3A_94 = arith.constant 0 : i32
      %dma_wait3A_95 = tpu.memref_slice %arg3[%add3A, %dma_wait3A_93, %dma_wait3A_94] : memref<32x4x128xi32, #tpu.memory_space<hbm>> -> memref<1x4x128xi32, #tpu.memory_space<hbm>>
      %dma_wait3A_96 = tpu.memref_squeeze %dma_wait3A_95 : memref<1x4x128xi32, #tpu.memory_space<hbm>> -> memref<4x128xi32, #tpu.memory_space<hbm>>
      tpu.wait_dma2 semaphore(%run_scoped3A : memref<!tpu.dma_semaphore, #tpu.memory_space<semaphore_mem>>) src(%dma_wait3A_96 : memref<4x128xi32, #tpu.memory_space<hbm>>) dst(%arg5 : memref<4x128xi32, #tpu.memory_space<vmem>>)
      tpu.yield
    }) : () -> ()
    %dma_start3A = arith.constant 0 : i32
    %dma_start3A_3 = arith.constant 0 : i32
    %dma_start3A_4 = arith.constant 0 : i32
    %dma_start3A_5 = tpu.memref_slice %arg6[%dma_start3A_3, %dma_start3A_4] : memref<512x128xi32, #tpu.memory_space<vmem>> -> memref<128x128xi32, #tpu.memory_space<vmem>>
    %dma_start3A_6 = arith.constant 0 : i32
    %dma_start3A_7 = tpu.memref_slice %arg5[%dma_start3A, %dma_start3A_6] : memref<4x128xi32, #tpu.memory_space<vmem>> -> memref<1x128xi32, #tpu.memory_space<vmem>>
    %dma_start3A_8 = tpu.memref_squeeze %dma_start3A_7 : memref<1x128xi32, #tpu.memory_space<vmem>> -> memref<128xi32, #tpu.memory_space<vmem>>
    %dma_start3A_9 = arith.constant 0 : i32
    %dma_start3A_10 = arith.constant 0 : i32
    %dma_start3A_11 = tpu.memref_slice %arg2[%dma_start3A_9, %dma_start3A_10] : memref<253952x128xi32, #tpu.memory_space<hbm>> -> memref<253952x128xi32, #tpu.memory_space<hbm>>
    tpu.enqueue_indirect_dma source(%dma_start3A_11 : memref<253952x128xi32, #tpu.memory_space<hbm>>) target(%dma_start3A_5 : memref<128x128xi32, #tpu.memory_space<vmem>>) offsets(%dma_start3A_8 : memref<128xi32, #tpu.memory_space<vmem>>) semaphore(%arg7 : memref<!tpu.dma_semaphore, #tpu.memory_space<semaphore_mem>>)
    %dma_start3A_12 = arith.constant 1 : i32
    %dma_start3A_13 = arith.constant 128 : i32
    %dma_start3A_14 = arith.constant 0 : i32
    %dma_start3A_15 = tpu.memref_slice %arg6[%dma_start3A_13, %dma_start3A_14] : memref<512x128xi32, #tpu.memory_space<vmem>> -> memref<128x128xi32, #tpu.memory_space<vmem>>
    %dma_start3A_16 = arith.constant 0 : i32
    %dma_start3A_17 = tpu.memref_slice %arg5[%dma_start3A_12, %dma_start3A_16] : memref<4x128xi32, #tpu.memory_space<vmem>> -> memref<1x128xi32, #tpu.memory_space<vmem>>
    %dma_start3A_18 = tpu.memref_squeeze %dma_start3A_17 : memref<1x128xi32, #tpu.memory_space<vmem>> -> memref<128xi32, #tpu.memory_space<vmem>>
    %dma_start3A_19 = arith.constant 0 : i32
    %dma_start3A_20 = arith.constant 0 : i32
    %dma_start3A_21 = tpu.memref_slice %arg2[%dma_start3A_19, %dma_start3A_20] : memref<253952x128xi32, #tpu.memory_space<hbm>> -> memref<253952x128xi32, #tpu.memory_space<hbm>>
    tpu.enqueue_indirect_dma source(%dma_start3A_21 : memref<253952x128xi32, #tpu.memory_space<hbm>>) target(%dma_start3A_15 : memref<128x128xi32, #tpu.memory_space<vmem>>) offsets(%dma_start3A_18 : memref<128xi32, #tpu.memory_space<vmem>>) semaphore(%arg7 : memref<!tpu.dma_semaphore, #tpu.memory_space<semaphore_mem>>)
    %dma_start3A_22 = arith.constant 2 : i32
    %dma_start3A_23 = arith.constant 256 : i32
    %dma_start3A_24 = arith.constant 0 : i32
    %dma_start3A_25 = tpu.memref_slice %arg6[%dma_start3A_23, %dma_start3A_24] : memref<512x128xi32, #tpu.memory_space<vmem>> -> memref<128x128xi32, #tpu.memory_space<vmem>>
    %dma_start3A_26 = arith.constant 0 : i32
    %dma_start3A_27 = tpu.memref_slice %arg5[%dma_start3A_22, %dma_start3A_26] : memref<4x128xi32, #tpu.memory_space<vmem>> -> memref<1x128xi32, #tpu.memory_space<vmem>>
    %dma_start3A_28 = tpu.memref_squeeze %dma_start3A_27 : memref<1x128xi32, #tpu.memory_space<vmem>> -> memref<128xi32, #tpu.memory_space<vmem>>
    %dma_start3A_29 = arith.constant 0 : i32
    %dma_start3A_30 = arith.constant 0 : i32
    %dma_start3A_31 = tpu.memref_slice %arg2[%dma_start3A_29, %dma_start3A_30] : memref<253952x128xi32, #tpu.memory_space<hbm>> -> memref<253952x128xi32, #tpu.memory_space<hbm>>
    tpu.enqueue_indirect_dma source(%dma_start3A_31 : memref<253952x128xi32, #tpu.memory_space<hbm>>) target(%dma_start3A_25 : memref<128x128xi32, #tpu.memory_space<vmem>>) offsets(%dma_start3A_28 : memref<128xi32, #tpu.memory_space<vmem>>) semaphore(%arg7 : memref<!tpu.dma_semaphore, #tpu.memory_space<semaphore_mem>>)
    %dma_start3A_32 = arith.constant 3 : i32
    %dma_start3A_33 = arith.constant 384 : i32
    %dma_start3A_34 = arith.constant 0 : i32
    %dma_start3A_35 = tpu.memref_slice %arg6[%dma_start3A_33, %dma_start3A_34] : memref<512x128xi32, #tpu.memory_space<vmem>> -> memref<128x128xi32, #tpu.memory_space<vmem>>
    %dma_start3A_36 = arith.constant 0 : i32
    %dma_start3A_37 = tpu.memref_slice %arg5[%dma_start3A_32, %dma_start3A_36] : memref<4x128xi32, #tpu.memory_space<vmem>> -> memref<1x128xi32, #tpu.memory_space<vmem>>
    %dma_start3A_38 = tpu.memref_squeeze %dma_start3A_37 : memref<1x128xi32, #tpu.memory_space<vmem>> -> memref<128xi32, #tpu.memory_space<vmem>>
    %dma_start3A_39 = arith.constant 0 : i32
    %dma_start3A_40 = arith.constant 0 : i32
    %dma_start3A_41 = tpu.memref_slice %arg2[%dma_start3A_39, %dma_start3A_40] : memref<253952x128xi32, #tpu.memory_space<hbm>> -> memref<253952x128xi32, #tpu.memory_space<hbm>>
    tpu.enqueue_indirect_dma source(%dma_start3A_41 : memref<253952x128xi32, #tpu.memory_space<hbm>>) target(%dma_start3A_35 : memref<128x128xi32, #tpu.memory_space<vmem>>) offsets(%dma_start3A_38 : memref<128xi32, #tpu.memory_space<vmem>>) semaphore(%arg7 : memref<!tpu.dma_semaphore, #tpu.memory_space<semaphore_mem>>)
    %dma_wait3A = arith.constant 0 : i32
    %dma_wait3A_42 = arith.constant 0 : i32
    %dma_wait3A_43 = arith.constant 0 : i32
    %dma_wait3A_44 = tpu.memref_slice %arg6[%dma_wait3A_42, %dma_wait3A_43] : memref<512x128xi32, #tpu.memory_space<vmem>> -> memref<128x128xi32, #tpu.memory_space<vmem>>
    %dma_wait3A_45 = arith.constant 0 : i32
    %dma_wait3A_46 = tpu.memref_slice %arg5[%dma_wait3A, %dma_wait3A_45] : memref<4x128xi32, #tpu.memory_space<vmem>> -> memref<1x128xi32, #tpu.memory_space<vmem>>
    %dma_wait3A_47 = tpu.memref_squeeze %dma_wait3A_46 : memref<1x128xi32, #tpu.memory_space<vmem>> -> memref<128xi32, #tpu.memory_space<vmem>>
    %dma_wait3A_48 = arith.constant 0 : i32
    %dma_wait3A_49 = arith.constant 0 : i32
    %dma_wait3A_50 = tpu.memref_slice %arg2[%dma_wait3A_48, %dma_wait3A_49] : memref<253952x128xi32, #tpu.memory_space<hbm>> -> memref<253952x128xi32, #tpu.memory_space<hbm>>
    tpu.wait_indirect_dma semaphore(%arg7 : memref<!tpu.dma_semaphore, #tpu.memory_space<semaphore_mem>>) src(%dma_wait3A_50 : memref<253952x128xi32, #tpu.memory_space<hbm>>) dst(%dma_wait3A_44 : memref<128x128xi32, #tpu.memory_space<vmem>>)
    %dma_wait3A_51 = arith.constant 1 : i32
    %dma_wait3A_52 = arith.constant 128 : i32
    %dma_wait3A_53 = arith.constant 0 : i32
    %dma_wait3A_54 = tpu.memref_slice %arg6[%dma_wait3A_52, %dma_wait3A_53] : memref<512x128xi32, #tpu.memory_space<vmem>> -> memref<128x128xi32, #tpu.memory_space<vmem>>
    %dma_wait3A_55 = arith.constant 0 : i32
    %dma_wait3A_56 = tpu.memref_slice %arg5[%dma_wait3A_51, %dma_wait3A_55] : memref<4x128xi32, #tpu.memory_space<vmem>> -> memref<1x128xi32, #tpu.memory_space<vmem>>
    %dma_wait3A_57 = tpu.memref_squeeze %dma_wait3A_56 : memref<1x128xi32, #tpu.memory_space<vmem>> -> memref<128xi32, #tpu.memory_space<vmem>>
    %dma_wait3A_58 = arith.constant 0 : i32
    %dma_wait3A_59 = arith.constant 0 : i32
    %dma_wait3A_60 = tpu.memref_slice %arg2[%dma_wait3A_58, %dma_wait3A_59] : memref<253952x128xi32, #tpu.memory_space<hbm>> -> memref<253952x128xi32, #tpu.memory_space<hbm>>
    tpu.wait_indirect_dma semaphore(%arg7 : memref<!tpu.dma_semaphore, #tpu.memory_space<semaphore_mem>>) src(%dma_wait3A_60 : memref<253952x128xi32, #tpu.memory_space<hbm>>) dst(%dma_wait3A_54 : memref<128x128xi32, #tpu.memory_space<vmem>>)
    %dma_wait3A_61 = arith.constant 2 : i32
    %dma_wait3A_62 = arith.constant 256 : i32
    %dma_wait3A_63 = arith.constant 0 : i32
    %dma_wait3A_64 = tpu.memref_slice %arg6[%dma_wait3A_62, %dma_wait3A_63] : memref<512x128xi32, #tpu.memory_space<vmem>> -> memref<128x128xi32, #tpu.memory_space<vmem>>
    %dma_wait3A_65 = arith.constant 0 : i32
    %dma_wait3A_66 = tpu.memref_slice %arg5[%dma_wait3A_61, %dma_wait3A_65] : memref<4x128xi32, #tpu.memory_space<vmem>> -> memref<1x128xi32, #tpu.memory_space<vmem>>
    %dma_wait3A_67 = tpu.memref_squeeze %dma_wait3A_66 : memref<1x128xi32, #tpu.memory_space<vmem>> -> memref<128xi32, #tpu.memory_space<vmem>>
    %dma_wait3A_68 = arith.constant 0 : i32
    %dma_wait3A_69 = arith.constant 0 : i32
    %dma_wait3A_70 = tpu.memref_slice %arg2[%dma_wait3A_68, %dma_wait3A_69] : memref<253952x128xi32, #tpu.memory_space<hbm>> -> memref<253952x128xi32, #tpu.memory_space<hbm>>
    tpu.wait_indirect_dma semaphore(%arg7 : memref<!tpu.dma_semaphore, #tpu.memory_space<semaphore_mem>>) src(%dma_wait3A_70 : memref<253952x128xi32, #tpu.memory_space<hbm>>) dst(%dma_wait3A_64 : memref<128x128xi32, #tpu.memory_space<vmem>>)
    %dma_wait3A_71 = arith.constant 3 : i32
    %dma_wait3A_72 = arith.constant 384 : i32
    %dma_wait3A_73 = arith.constant 0 : i32
    %dma_wait3A_74 = tpu.memref_slice %arg6[%dma_wait3A_72, %dma_wait3A_73] : memref<512x128xi32, #tpu.memory_space<vmem>> -> memref<128x128xi32, #tpu.memory_space<vmem>>
    %dma_wait3A_75 = arith.constant 0 : i32
    %dma_wait3A_76 = tpu.memref_slice %arg5[%dma_wait3A_71, %dma_wait3A_75] : memref<4x128xi32, #tpu.memory_space<vmem>> -> memref<1x128xi32, #tpu.memory_space<vmem>>
    %dma_wait3A_77 = tpu.memref_squeeze %dma_wait3A_76 : memref<1x128xi32, #tpu.memory_space<vmem>> -> memref<128xi32, #tpu.memory_space<vmem>>
    %dma_wait3A_78 = arith.constant 0 : i32
    %dma_wait3A_79 = arith.constant 0 : i32
    %dma_wait3A_80 = tpu.memref_slice %arg2[%dma_wait3A_78, %dma_wait3A_79] : memref<253952x128xi32, #tpu.memory_space<hbm>> -> memref<253952x128xi32, #tpu.memory_space<hbm>>
    tpu.wait_indirect_dma semaphore(%arg7 : memref<!tpu.dma_semaphore, #tpu.memory_space<semaphore_mem>>) src(%dma_wait3A_80 : memref<253952x128xi32, #tpu.memory_space<hbm>>) dst(%dma_wait3A_74 : memref<128x128xi32, #tpu.memory_space<vmem>>)
    "tpu.region"() ({
      %run_scoped3A = tpu.sem_alloc : memref<!tpu.dma_semaphore, #tpu.memory_space<semaphore_mem>>
      %dma_start3A_81 = arith.constant 0 : i32
      %dma_start3A_82 = tpu.memref_slice %arg4[%mul3A_2, %dma_start3A_81] : memref<16384x128xi32, #tpu.memory_space<hbm>> -> memref<512x128xi32, #tpu.memory_space<hbm>>
      %dma_start3A_83 = arith.constant 0 : i32
      %dma_start3A_84 = tpu.memref_slice %arg4[%mul3A_2, %dma_start3A_83] : memref<16384x128xi32, #tpu.memory_space<hbm>> -> memref<512x128xi32, #tpu.memory_space<hbm>>
      tpu.enqueue_dma source(%arg6 : memref<512x128xi32, #tpu.memory_space<vmem>>) target(%dma_start3A_84 : memref<512x128xi32, #tpu.memory_space<hbm>>) target_semaphore(%run_scoped3A : memref<!tpu.dma_semaphore, #tpu.memory_space<semaphore_mem>>)
      %dma_wait3A_85 = arith.constant 0 : i32
      %dma_wait3A_86 = tpu.memref_slice %arg4[%mul3A_2, %dma_wait3A_85] : memref<16384x128xi32, #tpu.memory_space<hbm>> -> memref<512x128xi32, #tpu.memory_space<hbm>>
      %dma_wait3A_87 = arith.constant 0 : i32
      %dma_wait3A_88 = tpu.memref_slice %arg4[%mul3A_2, %dma_wait3A_87] : memref<16384x128xi32, #tpu.memory_space<hbm>> -> memref<512x128xi32, #tpu.memory_space<hbm>>
      tpu.wait_dma2 semaphore(%run_scoped3A : memref<!tpu.dma_semaphore, #tpu.memory_space<semaphore_mem>>) src(%arg6 : memref<512x128xi32, #tpu.memory_space<vmem>>) dst(%dma_wait3A_88 : memref<512x128xi32, #tpu.memory_space<hbm>>)
      tpu.yield
    }) : () -> ()
    return
  }
}

module attributes {stable_mosaic.version = 14 : i64} {
  func.func @_repack_body(%arg0: i32, %arg1: memref<64x8192xf32, #tpu.memory_space<vmem>>, %arg2: memref<64x8192xf32, #tpu.memory_space<vmem>>, %arg3: memref<64x8192xf32, #tpu.memory_space<vmem>>, %arg4: memref<64x8192xf32, #tpu.memory_space<vmem>>, %arg5: memref<8192x128xi32, #tpu.memory_space<vmem>>) attributes {dimension_semantics = [#tpu.dimension_semantics<arbitrary>], iteration_bounds = array<i64: 31>, scalar_prefetch = 0 : i64, scratch_operands = 0 : i64, tpu.core_type = #tpu.core_type<tc>, window_params = [{transform_indices = @transform_0, window_bounds = array<i64: 64, 8192>}, {transform_indices = @transform_1, window_bounds = array<i64: 64, 8192>}, {transform_indices = @transform_2, window_bounds = array<i64: 64, 8192>}, {transform_indices = @transform_3, window_bounds = array<i64: 64, 8192>}, {transform_indices = @transform_4, window_bounds = array<i64: 8192, 128>}]} {
    %get3A = arith.constant 0 : index
    %get3A_0 = arith.constant 0 : index
    %get3A_1 = vector.load %arg1[%get3A, %get3A_0] : memref<64x8192xf32, #tpu.memory_space<vmem>>, vector<64x8192xf32>
    %bitcast_convert_type3A = tpu.bitcast %get3A_1 : vector<64x8192xf32> -> vector<64x8192xi32>
    %add3A = arith.constant 32767 : i32
    %add3A_2 = vector.broadcast %add3A : i32 to vector<64x8192xi32>
    %add3A_3 = arith.addi %bitcast_convert_type3A, %add3A_2 : vector<64x8192xi32>
    %shift_right_logical3A = arith.constant 16 : i32
    %shift_right_logical3A_4 = vector.broadcast %shift_right_logical3A : i32 to vector<64x8192xi32>
    %shift_right_logical3A_5 = arith.shrui %bitcast_convert_type3A, %shift_right_logical3A_4 : vector<64x8192xi32>
    %and3A = arith.constant 1 : i32
    %and3A_6 = vector.broadcast %and3A : i32 to vector<64x8192xi32>
    %and3A_7 = arith.andi %shift_right_logical3A_5, %and3A_6 : vector<64x8192xi32>
    %add3A_8 = arith.addi %add3A_3, %and3A_7 : vector<64x8192xi32>
    %shift_right_logical3A_9 = arith.constant 16 : i32
    %shift_right_logical3A_10 = vector.broadcast %shift_right_logical3A_9 : i32 to vector<64x8192xi32>
    %shift_right_logical3A_11 = arith.shrui %add3A_8, %shift_right_logical3A_10 : vector<64x8192xi32>
    %get3A_12 = arith.constant 0 : index
    %get3A_13 = arith.constant 0 : index
    %get3A_14 = vector.load %arg2[%get3A_12, %get3A_13] : memref<64x8192xf32, #tpu.memory_space<vmem>>, vector<64x8192xf32>
    %bitcast_convert_type3A_15 = tpu.bitcast %get3A_14 : vector<64x8192xf32> -> vector<64x8192xi32>
    %add3A_16 = arith.constant 32767 : i32
    %add3A_17 = vector.broadcast %add3A_16 : i32 to vector<64x8192xi32>
    %add3A_18 = arith.addi %bitcast_convert_type3A_15, %add3A_17 : vector<64x8192xi32>
    %shift_right_logical3A_19 = arith.constant 16 : i32
    %shift_right_logical3A_20 = vector.broadcast %shift_right_logical3A_19 : i32 to vector<64x8192xi32>
    %shift_right_logical3A_21 = arith.shrui %bitcast_convert_type3A_15, %shift_right_logical3A_20 : vector<64x8192xi32>
    %and3A_22 = arith.constant 1 : i32
    %and3A_23 = vector.broadcast %and3A_22 : i32 to vector<64x8192xi32>
    %and3A_24 = arith.andi %shift_right_logical3A_21, %and3A_23 : vector<64x8192xi32>
    %add3A_25 = arith.addi %add3A_18, %and3A_24 : vector<64x8192xi32>
    %shift_right_logical3A_26 = arith.constant 16 : i32
    %shift_right_logical3A_27 = vector.broadcast %shift_right_logical3A_26 : i32 to vector<64x8192xi32>
    %shift_right_logical3A_28 = arith.shrui %add3A_25, %shift_right_logical3A_27 : vector<64x8192xi32>
    %shift_left3A = arith.constant 16 : i32
    %shift_left3A_29 = vector.broadcast %shift_left3A : i32 to vector<64x8192xi32>
    %shift_left3A_30 = arith.shli %shift_right_logical3A_28, %shift_left3A_29 : vector<64x8192xi32>
    %or3A = arith.ori %shift_right_logical3A_11, %shift_left3A_30 : vector<64x8192xi32>
    %transpose3A = tpu.transpose %or3A, [1, 0] : vector<64x8192xi32> -> vector<8192x64xi32>
    %get3A_31 = arith.constant 0 : index
    %get3A_32 = arith.constant 0 : index
    %get3A_33 = vector.load %arg3[%get3A_31, %get3A_32] : memref<64x8192xf32, #tpu.memory_space<vmem>>, vector<64x8192xf32>
    %bitcast_convert_type3A_34 = tpu.bitcast %get3A_33 : vector<64x8192xf32> -> vector<64x8192xi32>
    %add3A_35 = arith.constant 32767 : i32
    %add3A_36 = vector.broadcast %add3A_35 : i32 to vector<64x8192xi32>
    %add3A_37 = arith.addi %bitcast_convert_type3A_34, %add3A_36 : vector<64x8192xi32>
    %shift_right_logical3A_38 = arith.constant 16 : i32
    %shift_right_logical3A_39 = vector.broadcast %shift_right_logical3A_38 : i32 to vector<64x8192xi32>
    %shift_right_logical3A_40 = arith.shrui %bitcast_convert_type3A_34, %shift_right_logical3A_39 : vector<64x8192xi32>
    %and3A_41 = arith.constant 1 : i32
    %and3A_42 = vector.broadcast %and3A_41 : i32 to vector<64x8192xi32>
    %and3A_43 = arith.andi %shift_right_logical3A_40, %and3A_42 : vector<64x8192xi32>
    %add3A_44 = arith.addi %add3A_37, %and3A_43 : vector<64x8192xi32>
    %shift_right_logical3A_45 = arith.constant 16 : i32
    %shift_right_logical3A_46 = vector.broadcast %shift_right_logical3A_45 : i32 to vector<64x8192xi32>
    %shift_right_logical3A_47 = arith.shrui %add3A_44, %shift_right_logical3A_46 : vector<64x8192xi32>
    %get3A_48 = arith.constant 0 : index
    %get3A_49 = arith.constant 0 : index
    %get3A_50 = vector.load %arg4[%get3A_48, %get3A_49] : memref<64x8192xf32, #tpu.memory_space<vmem>>, vector<64x8192xf32>
    %bitcast_convert_type3A_51 = tpu.bitcast %get3A_50 : vector<64x8192xf32> -> vector<64x8192xi32>
    %add3A_52 = arith.constant 32767 : i32
    %add3A_53 = vector.broadcast %add3A_52 : i32 to vector<64x8192xi32>
    %add3A_54 = arith.addi %bitcast_convert_type3A_51, %add3A_53 : vector<64x8192xi32>
    %shift_right_logical3A_55 = arith.constant 16 : i32
    %shift_right_logical3A_56 = vector.broadcast %shift_right_logical3A_55 : i32 to vector<64x8192xi32>
    %shift_right_logical3A_57 = arith.shrui %bitcast_convert_type3A_51, %shift_right_logical3A_56 : vector<64x8192xi32>
    %and3A_58 = arith.constant 1 : i32
    %and3A_59 = vector.broadcast %and3A_58 : i32 to vector<64x8192xi32>
    %and3A_60 = arith.andi %shift_right_logical3A_57, %and3A_59 : vector<64x8192xi32>
    %add3A_61 = arith.addi %add3A_54, %and3A_60 : vector<64x8192xi32>
    %shift_right_logical3A_62 = arith.constant 16 : i32
    %shift_right_logical3A_63 = vector.broadcast %shift_right_logical3A_62 : i32 to vector<64x8192xi32>
    %shift_right_logical3A_64 = arith.shrui %add3A_61, %shift_right_logical3A_63 : vector<64x8192xi32>
    %shift_left3A_65 = arith.constant 16 : i32
    %shift_left3A_66 = vector.broadcast %shift_left3A_65 : i32 to vector<64x8192xi32>
    %shift_left3A_67 = arith.shli %shift_right_logical3A_64, %shift_left3A_66 : vector<64x8192xi32>
    %or3A_68 = arith.ori %shift_right_logical3A_47, %shift_left3A_67 : vector<64x8192xi32>
    %transpose3A_69 = tpu.transpose %or3A_68, [1, 0] : vector<64x8192xi32> -> vector<8192x64xi32>
    %concatenate3A = tpu.concatenate %transpose3A, %transpose3A_69 in 1 : vector<8192x64xi32>, vector<8192x64xi32> -> vector<8192x128xi32>
    %bitcast_convert_type3A_70 = tpu.bitcast %concatenate3A : vector<8192x128xi32> -> vector<8192x128xi32>
    %swap3A = arith.constant 0 : index
    %swap3A_71 = arith.constant 0 : index
    %swap3A_72 = vector.load %arg5[%swap3A, %swap3A_71] : memref<8192x128xi32, #tpu.memory_space<vmem>>, vector<8192x128xi32>
    tpu.vector_store %arg5[%swap3A, %swap3A_71], %bitcast_convert_type3A_70 {strides = array<i32>} : memref<8192x128xi32, #tpu.memory_space<vmem>>, vector<8192x128xi32>,
    return
  }
  func.func @transform_0(%arg0: i32) -> (i32, i32) {
    %add3A = arith.constant 0 : i32
    %add3A_0 = arith.addi %arg0, %add3A : i32
    %min3A = arith.constant 122 : i32
    %min3A_1 = arith.minsi %add3A_0, %min3A : i32
    %c0_i32 = arith.constant 0 : i32
    %c0_i32_2 = arith.constant 0 : i32
    return %c0_i32, %min3A_1 : i32, i32
  }
  func.func @transform_1(%arg0: i32) -> (i32, i32) {
    %add3A = arith.constant 31 : i32
    %add3A_0 = arith.addi %arg0, %add3A : i32
    %min3A = arith.constant 122 : i32
    %min3A_1 = arith.minsi %add3A_0, %min3A : i32
    %c0_i32 = arith.constant 0 : i32
    %c0_i32_2 = arith.constant 0 : i32
    return %c0_i32, %min3A_1 : i32, i32
  }
  func.func @transform_2(%arg0: i32) -> (i32, i32) {
    %add3A = arith.constant 62 : i32
    %add3A_0 = arith.addi %arg0, %add3A : i32
    %min3A = arith.constant 122 : i32
    %min3A_1 = arith.minsi %add3A_0, %min3A : i32
    %c0_i32 = arith.constant 0 : i32
    %c0_i32_2 = arith.constant 0 : i32
    return %c0_i32, %min3A_1 : i32, i32
  }
  func.func @transform_3(%arg0: i32) -> (i32, i32) {
    %add3A = arith.constant 93 : i32
    %add3A_0 = arith.addi %arg0, %add3A : i32
    %min3A = arith.constant 122 : i32
    %min3A_1 = arith.minsi %add3A_0, %min3A : i32
    %c0_i32 = arith.constant 0 : i32
    %c0_i32_2 = arith.constant 0 : i32
    return %c0_i32, %min3A_1 : i32, i32
  }
  func.func @transform_4(%arg0: i32) -> (i32, i32) {
    %c0_i32 = arith.constant 0 : i32
    %c0_i32_0 = arith.constant 0 : i32
    return %arg0, %c0_i32 : i32, i32
  }
}

module attributes {stable_mosaic.version = 14 : i64} {
  func.func @_mlp_body(%arg0: i32, %arg1: memref<4096x128xi32, #tpu.memory_space<vmem>>, %arg2: memref<4096x128xi32, #tpu.memory_space<vmem>>, %arg3: memref<4096x1xi32, #tpu.memory_space<vmem>>, %arg4: memref<4096x1xi32, #tpu.memory_space<vmem>>, %arg5: memref<64x128xf32, #tpu.memory_space<vmem>>, %arg6: memref<64x128xf32, #tpu.memory_space<vmem>>, %arg7: memref<1x128xf32, #tpu.memory_space<vmem>>, %arg8: memref<128x64xf32, #tpu.memory_space<vmem>>, %arg9: memref<1x64xf32, #tpu.memory_space<vmem>>, %arg10: memref<64x32xf32, #tpu.memory_space<vmem>>, %arg11: memref<1x32xf32, #tpu.memory_space<vmem>>, %arg12: memref<1x32xf32, #tpu.memory_space<vmem>>, %arg13: memref<1x1xf32, #tpu.memory_space<vmem>>, %arg14: memref<4096xf32, #tpu.memory_space<vmem>>) attributes {dimension_semantics = [#tpu.dimension_semantics<arbitrary>], iteration_bounds = array<i64: 4>, scalar_prefetch = 0 : i64, scratch_operands = 0 : i64, tpu.core_type = #tpu.core_type<tc>, window_params = [{transform_indices = @transform_0, window_bounds = array<i64: 4096, 128>}, {transform_indices = @transform_1, window_bounds = array<i64: 4096, 128>}, {transform_indices = @transform_2, window_bounds = array<i64: 4096, 1>}, {transform_indices = @transform_3, window_bounds = array<i64: 4096, 1>}, {pipeline_mode = #tpu.pipeline_mode<synchronous>, transform_indices = @transform_4, window_bounds = array<i64: 64, 128>}, {pipeline_mode = #tpu.pipeline_mode<synchronous>, transform_indices = @transform_5, window_bounds = array<i64: 64, 128>}, {pipeline_mode = #tpu.pipeline_mode<synchronous>, transform_indices = @transform_6, window_bounds = array<i64: 1, 128>}, {pipeline_mode = #tpu.pipeline_mode<synchronous>, transform_indices = @transform_7, window_bounds = array<i64: 128, 64>}, {pipeline_mode = #tpu.pipeline_mode<synchronous>, transform_indices = @transform_8, window_bounds = array<i64: 1, 64>}, {pipeline_mode = #tpu.pipeline_mode<synchronous>, transform_indices = @transform_9, window_bounds = array<i64: 64, 32>}, {pipeline_mode = #tpu.pipeline_mode<synchronous>, transform_indices = @transform_10, window_bounds = array<i64: 1, 32>}, {pipeline_mode = #tpu.pipeline_mode<synchronous>, transform_indices = @transform_11, window_bounds = array<i64: 1, 32>}, {pipeline_mode = #tpu.pipeline_mode<synchronous>, transform_indices = @transform_12, window_bounds = array<i64: 1, 1>}, {transform_indices = @transform_13, window_bounds = array<i64: 4096>}]} {
    %get3A = arith.constant 0 : index
    %get3A_0 = arith.constant 0 : index
    %get3A_1 = vector.load %arg1[%get3A, %get3A_0] : memref<4096x128xi32, #tpu.memory_space<vmem>>, vector<4096x128xi32>
    %get3A_2 = arith.constant 0 : index
    %get3A_3 = arith.constant 0 : index
    %get3A_4 = vector.load %arg3[%get3A_2, %get3A_3] : memref<4096x1xi32, #tpu.memory_space<vmem>>, vector<4096x1xi32>
    %ge3A = arith.constant 2 : i32
    %ge3A_5 = vector.broadcast %ge3A : i32 to vector<4096x1xi32>
    %ge3A_6 = arith.cmpi sge, %get3A_4, %ge3A_5 : vector<4096x1xi32>
    %slice3A = vector.extract_strided_slice %get3A_1 {offsets = [0, 64], sizes = [4096, 64], strides = [1, 1]} : vector<4096x128xi32> to vector<4096x64xi32>
    %slice3A_7 = vector.extract_strided_slice %get3A_1 {offsets = [0, 0], sizes = [4096, 64], strides = [1, 1]} : vector<4096x128xi32> to vector<4096x64xi32>
    %broadcast_in_dim3A = vector.shape_cast %ge3A_6 : vector<4096x1xi1> to vector<4096x1xi1>
    %broadcast_in_dim3A_8 = vector.broadcast %broadcast_in_dim3A : vector<4096x1xi1> to vector<4096x64xi1>
    %select_n3A = arith.select %broadcast_in_dim3A_8, %slice3A, %slice3A_7 : vector<4096x64xi1>, vector<4096x64xi32>
    %and3A = arith.constant 1 : i32
    %and3A_9 = vector.broadcast %and3A : i32 to vector<4096x1xi32>
    %and3A_10 = arith.andi %get3A_4, %and3A_9 : vector<4096x1xi32>
    %gt3A = arith.constant 0 : i32
    %gt3A_11 = vector.broadcast %gt3A : i32 to vector<4096x1xi32>
    %gt3A_12 = arith.cmpi sgt, %and3A_10, %gt3A_11 : vector<4096x1xi32>
    %and3A_13 = arith.constant -65536 : i32
    %and3A_14 = vector.broadcast %and3A_13 : i32 to vector<4096x64xi32>
    %and3A_15 = arith.andi %select_n3A, %and3A_14 : vector<4096x64xi32>
    %shift_left3A = arith.constant 16 : i32
    %shift_left3A_16 = vector.broadcast %shift_left3A : i32 to vector<4096x64xi32>
    %shift_left3A_17 = arith.shli %select_n3A, %shift_left3A_16 : vector<4096x64xi32>
    %broadcast_in_dim3A_18 = vector.shape_cast %gt3A_12 : vector<4096x1xi1> to vector<4096x1xi1>
    %broadcast_in_dim3A_19 = vector.broadcast %broadcast_in_dim3A_18 : vector<4096x1xi1> to vector<4096x64xi1>
    %select_n3A_20 = arith.select %broadcast_in_dim3A_19, %and3A_15, %shift_left3A_17 : vector<4096x64xi1>, vector<4096x64xi32>
    %bitcast_convert_type3A = tpu.bitcast %select_n3A_20 : vector<4096x64xi32> -> vector<4096x64xf32>
    %get3A_21 = arith.constant 0 : index
    %get3A_22 = arith.constant 0 : index
    %get3A_23 = vector.load %arg2[%get3A_21, %get3A_22] : memref<4096x128xi32, #tpu.memory_space<vmem>>, vector<4096x128xi32>
    %get3A_24 = arith.constant 0 : index
    %get3A_25 = arith.constant 0 : index
    %get3A_26 = vector.load %arg4[%get3A_24, %get3A_25] : memref<4096x1xi32, #tpu.memory_space<vmem>>, vector<4096x1xi32>
    %ge3A_27 = arith.constant 2 : i32
    %ge3A_28 = vector.broadcast %ge3A_27 : i32 to vector<4096x1xi32>
    %ge3A_29 = arith.cmpi sge, %get3A_26, %ge3A_28 : vector<4096x1xi32>
    %slice3A_30 = vector.extract_strided_slice %get3A_23 {offsets = [0, 64], sizes = [4096, 64], strides = [1, 1]} : vector<4096x128xi32> to vector<4096x64xi32>
    %slice3A_31 = vector.extract_strided_slice %get3A_23 {offsets = [0, 0], sizes = [4096, 64], strides = [1, 1]} : vector<4096x128xi32> to vector<4096x64xi32>
    %broadcast_in_dim3A_32 = vector.shape_cast %ge3A_29 : vector<4096x1xi1> to vector<4096x1xi1>
    %broadcast_in_dim3A_33 = vector.broadcast %broadcast_in_dim3A_32 : vector<4096x1xi1> to vector<4096x64xi1>
    %select_n3A_34 = arith.select %broadcast_in_dim3A_33, %slice3A_30, %slice3A_31 : vector<4096x64xi1>, vector<4096x64xi32>
    %and3A_35 = arith.constant 1 : i32
    %and3A_36 = vector.broadcast %and3A_35 : i32 to vector<4096x1xi32>
    %and3A_37 = arith.andi %get3A_26, %and3A_36 : vector<4096x1xi32>
    %gt3A_38 = arith.constant 0 : i32
    %gt3A_39 = vector.broadcast %gt3A_38 : i32 to vector<4096x1xi32>
    %gt3A_40 = arith.cmpi sgt, %and3A_37, %gt3A_39 : vector<4096x1xi32>
    %and3A_41 = arith.constant -65536 : i32
    %and3A_42 = vector.broadcast %and3A_41 : i32 to vector<4096x64xi32>
    %and3A_43 = arith.andi %select_n3A_34, %and3A_42 : vector<4096x64xi32>
    %shift_left3A_44 = arith.constant 16 : i32
    %shift_left3A_45 = vector.broadcast %shift_left3A_44 : i32 to vector<4096x64xi32>
    %shift_left3A_46 = arith.shli %select_n3A_34, %shift_left3A_45 : vector<4096x64xi32>
    %broadcast_in_dim3A_47 = vector.shape_cast %gt3A_40 : vector<4096x1xi1> to vector<4096x1xi1>
    %broadcast_in_dim3A_48 = vector.broadcast %broadcast_in_dim3A_47 : vector<4096x1xi1> to vector<4096x64xi1>
    %select_n3A_49 = arith.select %broadcast_in_dim3A_48, %and3A_43, %shift_left3A_46 : vector<4096x64xi1>, vector<4096x64xi32>
    %bitcast_convert_type3A_50 = tpu.bitcast %select_n3A_49 : vector<4096x64xi32> -> vector<4096x64xf32>
    %get3A_51 = arith.constant 0 : index
    %get3A_52 = arith.constant 0 : index
    %get3A_53 = vector.load %arg5[%get3A_51, %get3A_52] : memref<64x128xf32, #tpu.memory_space<vmem>>, vector<64x128xf32>
    %dot_general3A = arith.constant dense<0.000000e+00> : vector<4096x128xf32>
    %dot_general3A_54 = tpu.matmul %bitcast_convert_type3A, %get3A_53, %dot_general3A {dimension_numbers = #tpu.dot_dimension_numbers<[1], [0], [0], [1], [0, 0, 1, 1], [], []>, transpose_lhs_hint = false} : vector<4096x64xf32>, vector<64x128xf32>, vector<4096x128xf32> -> vector<4096x128xf32>
    %get3A_55 = arith.constant 0 : index
    %get3A_56 = arith.constant 0 : index
    %get3A_57 = vector.load %arg6[%get3A_55, %get3A_56] : memref<64x128xf32, #tpu.memory_space<vmem>>, vector<64x128xf32>
    %dot_general3A_58 = arith.constant dense<0.000000e+00> : vector<4096x128xf32>
    %dot_general3A_59 = tpu.matmul %bitcast_convert_type3A_50, %get3A_57, %dot_general3A_58 {dimension_numbers = #tpu.dot_dimension_numbers<[1], [0], [0], [1], [0, 0, 1, 1], [], []>, transpose_lhs_hint = false} : vector<4096x64xf32>, vector<64x128xf32>, vector<4096x128xf32> -> vector<4096x128xf32>
    %add3A = arith.addf %dot_general3A_54, %dot_general3A_59 : vector<4096x128xf32>
    %get3A_60 = arith.constant 0 : index
    %get3A_61 = arith.constant 0 : index
    %get3A_62 = vector.load %arg7[%get3A_60, %get3A_61] : memref<1x128xf32, #tpu.memory_space<vmem>>, vector<1x128xf32>
    %add3A_63 = vector.broadcast %get3A_62 : vector<1x128xf32> to vector<4096x128xf32>
    %add3A_64 = arith.addf %add3A, %add3A_63 : vector<4096x128xf32>
    %max3A = arith.constant 0.000000e+00 : f32
    %max3A_65 = vector.broadcast %max3A : f32 to vector<4096x128xf32>
    %max3A_66 = arith.maximumf %add3A_64, %max3A_65 : vector<4096x128xf32>
    %get3A_67 = arith.constant 0 : index
    %get3A_68 = arith.constant 0 : index
    %get3A_69 = vector.load %arg8[%get3A_67, %get3A_68] : memref<128x64xf32, #tpu.memory_space<vmem>>, vector<128x64xf32>
    %dot_general3A_70 = arith.constant dense<0.000000e+00> : vector<4096x64xf32>
    %dot_general3A_71 = tpu.matmul %max3A_66, %get3A_69, %dot_general3A_70 {dimension_numbers = #tpu.dot_dimension_numbers<[1], [0], [0], [1], [0, 0, 1, 1], [], []>, transpose_lhs_hint = false} : vector<4096x128xf32>, vector<128x64xf32>, vector<4096x64xf32> -> vector<4096x64xf32>
    %get3A_72 = arith.constant 0 : index
    %get3A_73 = arith.constant 0 : index
    %get3A_74 = vector.load %arg9[%get3A_72, %get3A_73] : memref<1x64xf32, #tpu.memory_space<vmem>>, vector<1x64xf32>
    %add3A_75 = vector.broadcast %get3A_74 : vector<1x64xf32> to vector<4096x64xf32>
    %add3A_76 = arith.addf %dot_general3A_71, %add3A_75 : vector<4096x64xf32>
    %max3A_77 = arith.constant 0.000000e+00 : f32
    %max3A_78 = vector.broadcast %max3A_77 : f32 to vector<4096x64xf32>
    %max3A_79 = arith.maximumf %add3A_76, %max3A_78 : vector<4096x64xf32>
    %get3A_80 = arith.constant 0 : index
    %get3A_81 = arith.constant 0 : index
    %get3A_82 = vector.load %arg10[%get3A_80, %get3A_81] : memref<64x32xf32, #tpu.memory_space<vmem>>, vector<64x32xf32>
    %dot_general3A_83 = arith.constant dense<0.000000e+00> : vector<4096x32xf32>
    %dot_general3A_84 = tpu.matmul %max3A_79, %get3A_82, %dot_general3A_83 {dimension_numbers = #tpu.dot_dimension_numbers<[1], [0], [0], [1], [0, 0, 1, 1], [], []>, transpose_lhs_hint = false} : vector<4096x64xf32>, vector<64x32xf32>, vector<4096x32xf32> -> vector<4096x32xf32>
    %get3A_85 = arith.constant 0 : index
    %get3A_86 = arith.constant 0 : index
    %get3A_87 = vector.load %arg11[%get3A_85, %get3A_86] : memref<1x32xf32, #tpu.memory_space<vmem>>, vector<1x32xf32>
    %add3A_88 = vector.broadcast %get3A_87 : vector<1x32xf32> to vector<4096x32xf32>
    %add3A_89 = arith.addf %dot_general3A_84, %add3A_88 : vector<4096x32xf32>
    %max3A_90 = arith.constant 0.000000e+00 : f32
    %max3A_91 = vector.broadcast %max3A_90 : f32 to vector<4096x32xf32>
    %max3A_92 = arith.maximumf %add3A_89, %max3A_91 : vector<4096x32xf32>
    %get3A_93 = arith.constant 0 : index
    %get3A_94 = arith.constant 0 : index
    %get3A_95 = vector.load %arg12[%get3A_93, %get3A_94] : memref<1x32xf32, #tpu.memory_space<vmem>>, vector<1x32xf32>
    %mul3A = vector.broadcast %get3A_95 : vector<1x32xf32> to vector<4096x32xf32>
    %mul3A_96 = arith.mulf %max3A_92, %mul3A : vector<4096x32xf32>
    %reduce_sum3A = arith.constant dense<0.000000e+00> : vector<4096xf32>
    %reduce_sum3A_97 = vector.multi_reduction <add>, %mul3A_96, %reduce_sum3A [1] : vector<4096x32xf32> to vector<4096xf32>
    %get3A_98 = arith.constant 0 : index
    %get3A_99 = arith.constant 0 : index
    %get3A_100 = vector.load %arg13[%get3A_98, %get3A_99] : memref<1x1xf32, #tpu.memory_space<vmem>>, vector<1x1xf32>
    %get3A_101 = vector.extract %get3A_100[0, 0] : f32 from vector<1x1xf32>
    %add3A_102 = vector.broadcast %get3A_101 : f32 to vector<4096xf32>
    %add3A_103 = arith.addf %reduce_sum3A_97, %add3A_102 : vector<4096xf32>
    %swap3A = arith.constant 0 : index
    %swap3A_104 = vector.load %arg14[%swap3A] : memref<4096xf32, #tpu.memory_space<vmem>>, vector<4096xf32>
    tpu.vector_store %arg14[%swap3A], %add3A_103 {strides = array<i32>} : memref<4096xf32, #tpu.memory_space<vmem>>, vector<4096xf32>,
    return
  }
  func.func @transform_0(%arg0: i32) -> (i32, i32) {
    %c0_i32 = arith.constant 0 : i32
    %c0_i32_0 = arith.constant 0 : i32
    return %arg0, %c0_i32 : i32, i32
  }
  func.func @transform_1(%arg0: i32) -> (i32, i32) {
    %c0_i32 = arith.constant 0 : i32
    %c0_i32_0 = arith.constant 0 : i32
    return %arg0, %c0_i32 : i32, i32
  }
  func.func @transform_2(%arg0: i32) -> (i32, i32) {
    %c0_i32 = arith.constant 0 : i32
    %c0_i32_0 = arith.constant 0 : i32
    return %arg0, %c0_i32 : i32, i32
  }
  func.func @transform_3(%arg0: i32) -> (i32, i32) {
    %c0_i32 = arith.constant 0 : i32
    %c0_i32_0 = arith.constant 0 : i32
    return %arg0, %c0_i32 : i32, i32
  }
  func.func @transform_4(%arg0: i32) -> (i32, i32) {
    %c0_i32 = arith.constant 0 : i32
    %c0_i32_0 = arith.constant 0 : i32
    %c0_i32_1 = arith.constant 0 : i32
    return %c0_i32, %c0_i32_0 : i32, i32
  }
  func.func @transform_5(%arg0: i32) -> (i32, i32) {
    %c0_i32 = arith.constant 0 : i32
    %c0_i32_0 = arith.constant 0 : i32
    %c0_i32_1 = arith.constant 0 : i32
    return %c0_i32, %c0_i32_0 : i32, i32
  }
  func.func @transform_6(%arg0: i32) -> (i32, i32) {
    %c0_i32 = arith.constant 0 : i32
    %c0_i32_0 = arith.constant 0 : i32
    %c0_i32_1 = arith.constant 0 : i32
    return %c0_i32, %c0_i32_0 : i32, i32
  }
  func.func @transform_7(%arg0: i32) -> (i32, i32) {
    %c0_i32 = arith.constant 0 : i32
    %c0_i32_0 = arith.constant 0 : i32
    %c0_i32_1 = arith.constant 0 : i32
    return %c0_i32, %c0_i32_0 : i32, i32
  }
  func.func @transform_8(%arg0: i32) -> (i32, i32) {
    %c0_i32 = arith.constant 0 : i32
    %c0_i32_0 = arith.constant 0 : i32
    %c0_i32_1 = arith.constant 0 : i32
    return %c0_i32, %c0_i32_0 : i32, i32
  }
  func.func @transform_9(%arg0: i32) -> (i32, i32) {
    %c0_i32 = arith.constant 0 : i32
    %c0_i32_0 = arith.constant 0 : i32
    %c0_i32_1 = arith.constant 0 : i32
    return %c0_i32, %c0_i32_0 : i32, i32
  }
  func.func @transform_10(%arg0: i32) -> (i32, i32) {
    %c0_i32 = arith.constant 0 : i32
    %c0_i32_0 = arith.constant 0 : i32
    %c0_i32_1 = arith.constant 0 : i32
    return %c0_i32, %c0_i32_0 : i32, i32
  }
  func.func @transform_11(%arg0: i32) -> (i32, i32) {
    %c0_i32 = arith.constant 0 : i32
    %c0_i32_0 = arith.constant 0 : i32
    %c0_i32_1 = arith.constant 0 : i32
    return %c0_i32, %c0_i32_0 : i32, i32
  }
  func.func @transform_12(%arg0: i32) -> (i32, i32) {
    %c0_i32 = arith.constant 0 : i32
    %c0_i32_0 = arith.constant 0 : i32
    %c0_i32_1 = arith.constant 0 : i32
    return %c0_i32, %c0_i32_0 : i32, i32
  }
  func.func @transform_13(%arg0: i32) -> i32 {
    %c0_i32 = arith.constant 0 : i32
    return %arg0 : i32
  }
}

</mosaic_0001>

<sc_bundles>
// kernel: kernel.10.cloned.1.call-start
scs
__scs_entry_jumppad:
0x0: {  	(pc) =	sbr.rel $0x88, $3  }
0x1: {  	(tag) =	ssettag $0x0;
	lr =	simm.s32 $0x1  }
0x2: {  	[smem:$0x3F95] =	sst lr;
	_ =	strace $0xD0000000  }
0x3: {  	_ = 	snop  }
0x4: {  	_ = 	snop  }
0x5: {  	_ = 	snop  }
0x6: {  	_ = 	snop  }
0x7: {  	_ = 	snop  }
__scs_overlays_trampoline_lowered:
0x8: {  	[smem:$0x3FA4] =	sst s0  }
0x9: {  	[smem:$0x3FA5] =	sst s1  }
0xa: {  	[smem:$0x3FA6] =	sst s2  }
0xb: {  	[smem:$0x3FA7] =	sst s3  }
0xc: {  	[smem:$0x3FA8] =	sst s4  }
0xd: {  	[smem:$0x3FA9] =	sst s5  }
0xe: {  	[smem:$0x3FAA] =	sst s6  }
0xf: {  	[smem:$0x3FAB] =	sst s7  }
0x10: {  	[smem:$0x3FAC] =	sst s8  }
0x11: {  	[smem:$0x3FAD] =	sst s9;
	s0 =	simm.s32 @!p0 $0x0  }
0x12: {  	s1 =	sld [smem:$0x3F93];
	s0 =	simm.s32 @p0 $0x1  }
0x13: {  	[smem:$0x3FAE] =	sst s0;
	s0 =	simm.s32 @!p1 $0x0  }
0x14: {  	s2 =	sld [smem:$0x3F92];
	s0 =	simm.s32 @p1 $0x1  }
0x15: {  	[smem:$0x3FAF] =	sst s0;
	s0 =	simm.s32 @!p2 $0x0  }
0x16: {  	s3 =	sld [smem:$0x3FDB];
	s0 =	simm.s32 @p2 $0x1  }
0x17: {  	s4 =	simm.s32 $0x1BF5;
	[smem:$0x3FB1] =	sst s0  }
0x18: {  	s0 =	sld [smem:$0x3F94];
	_ =	swait.ge [sflag:s4], $0x0  }
0x19: {  	s7 =	sld [smem:$0x3F95]  }
0x1a: {  	s8 =	sadd.s32 $0xFFFFE003, lr  }
0x1b: {  	s9 =	sadd.s32 $0xFFFFFEF7, lr;
	s5 =	simm.s32 $0xFFFFFFFF;
	p2 =	slt.u32 s8, $0xFFFFF086  }
0x1c: {  	p1 =	slt.u32 s9, $0xF7A;
	s5 =	simm.s32 @!p2 $0x0  }
0x1d: {  	s5 =	simm.s32 @p1 $0x1;
	p0 =	seq.s32 s7, s2  }
0x1e: {  	s7 =	smul.u32 @!p0 $0xF7A, s2;
	p2 =	seq.s32 @!p0 s5, $0x0  }
0x1f: {  	s9 =	smul.u32 $0xF7A, s1;
	s8 =	simm.s32 @!p0 $0x1BF5;
	p2 =	por !p2, p0  }
0x20: {  	[sflag:s8] =	ssyncset.s32 @!p0 $0xFFFFF086;
	s6 =	sadd.s32 @!p0 s3, s7;
	s7 =	simm.s32 @!p0 $0x108  }
0x21: {  	s3 =	sadd.s32 s3, s9;
	s6 =	sadd.s32 @!p0 $0x88, s6;
	s7 =	simm.s32 @p2 $0x1082  }
0x22: {  	[simem:s7], [sflag:s8] =	dma.local @!p0 [hbm:s6], $0xF7A  }
0x23: {  	s9 =	sor.u32 $0xD0000000, s2;
	s6 =	simm.s32 $0x108;
	_ =	swait.ge @!p0 [sflag:s8], $0x0  }
0x24: {  	s3 =	sadd.s32 $0x88, s3;
	s6 =	simm.s32 @!p1 $0x1082;
	[sflag:s4] =	ssyncset.s32 $0xFFFFF086  }
0x25: {  	[simem:s6], [sflag:s4] =	dma.local [hbm:s3], $0xF7A  }
0x26: {  	[smem:$0x3F95] =	sst s1;
	(tag) =	ssettag s2;
	_ =	strace s9  }
0x27: {  	s1 =	sld [smem:$0x3FA5]  }
0x28: {  	s2 =	sld [smem:$0x3FA6]  }
0x29: {  	s4 =	sld [smem:$0x3FA8]  }
0x2a: {  	p0 =	seq.s32 s5, $0x0;
	s5 =	sld [smem:$0x3FA9]  }
0x2b: {  	s6 =	sld [smem:$0x3FAA]  }
0x2c: {  	s7 =	sld [smem:$0x3FAB]  }
0x2d: {  	s3 =	simm.s32 $0x108;
	s8 =	sld [smem:$0x3FAC]  }
0x2e: {  	s3 =	simm.s32 @!p0 $0x1082;
	s9 =	sld [smem:$0x3FAD]  }
0x2f: {  	lr =	sadd.s32 s0, s3;
	s0 =	sld [smem:$0x3FA4]  }
0x30: {  	s3 =	sld [smem:$0x3FA7]  }
0x31: {  	[smem:$0x3FB0] =	sst s10  }
0x32: {  	s10 =	sld [smem:$0x3FAE];
	_ =	sdelay $0x3  }
0x33: {  	p0 =	seq.s32 s10, $0x1;
	s10 =	sld [smem:$0x3FB0];
	_ =	sdelay $0x3  }
0x34: {  	[smem:$0x3FB0] =	sst s10  }
0x35: {  	s10 =	sld [smem:$0x3FAF];
	_ =	sdelay $0x3  }
0x36: {  	p1 =	seq.s32 s10, $0x1;
	s10 =	sld [smem:$0x3FB0];
	_ =	sdelay $0x3  }
0x37: {  	[smem:$0x3FB0] =	sst s10  }
0x38: {  	s10 =	sld [smem:$0x3FB1]  }
0x39: {  	_ = 	snop;
	(pc) =	sbr.ind lr, $3  }
0x3a: {  	_ = 	snop  }
0x3b: {  	_ = 	snop  }
0x3c: {  	p2 =	seq.s32 s10, $0x1;
	s10 =	sld [smem:$0x3FB0]  }
0x3d: {  	_ =	shalt  }
0x3e: {  	_ =	shalt  }
0x3f: {  	_ =	shalt  }
0x40: {  	_ =	shalt  }
0x41: {  	_ =	shalt  }
0x42: {  	_ =	shalt  }
0x43: {  	_ =	shalt  }
0x44: {  	_ =	shalt  }
0x45: {  	_ =	shalt  }
0x46: {  	_ =	shalt  }
0x47: {  	_ =	shalt  }
0x48: {  	_ =	shalt  }
0x49: {  	_ =	shalt  }
0x4a: {  	_ =	shalt  }
0x4b: {  	_ =	shalt  }
0x4c: {  	_ =	shalt  }
0x4d: {  	_ =	shalt  }
0x4e: {  	_ =	shalt  }
0x4f: {  	_ =	shalt  }
0x50: {  	_ =	shalt  }
0x51: {  	_ =	shalt  }
0x52: {  	_ =	shalt  }
0x53: {  	_ =	shalt  }
0x54: {  	_ =	shalt  }
0x55: {  	_ =	shalt  }
0x56: {  	_ =	shalt  }
0x57: {  	_ =	shalt  }
0x58: {  	_ =	shalt  }
0x59: {  	_ =	shalt  }
0x5a: {  	_ =	shalt  }
0x5b: {  	_ =	shalt  }
0x5c: {  	_ =	shalt  }
0x5d: {  	_ =	shalt  }
0x5e: {  	_ =	shalt  }
0x5f: {  	_ =	shalt  }
0x60: {  	_ =	shalt  }
0x61: {  	_ =	shalt  }
0x62: {  	_ =	shalt  }
0x63: {  	_ =	shalt  }
0x64: {  	_ =	shalt  }
0x65: {  	_ =	shalt  }
0x66: {  	_ =	shalt  }
0x67: {  	_ =	shalt  }
0x68: {  	_ =	shalt  }
0x69: {  	_ =	shalt  }
0x6a: {  	_ =	shalt  }
0x6b: {  	_ =	shalt  }
0x6c: {  	_ =	shalt  }
0x6d: {  	_ =	shalt  }
0x6e: {  	_ =	shalt  }
0x6f: {  	_ =	shalt  }
0x70: {  	_ =	shalt  }
0x71: {  	_ =	shalt  }
0x72: {  	_ =	shalt  }
0x73: {  	_ =	shalt  }
0x74: {  	_ =	shalt  }
0x75: {  	_ =	shalt  }
0x76: {  	_ =	shalt  }
0x77: {  	_ =	shalt  }
0x78: {  	_ =	shalt  }
0x79: {  	_ =	shalt  }
0x7a: {  	_ =	shalt  }
0x7b: {  	_ =	shalt  }
0x7c: {  	_ =	shalt  }
0x7d: {  	_ =	shalt  }
0x7e: {  	_ =	shalt  }
0x7f: {  	_ =	shalt  }
0x80: {  	_ =	shalt  }
0x81: {  	_ =	shalt  }
0x82: {  	_ =	shalt  }
0x83: {  	_ =	shalt  }
0x84: {  	_ =	shalt  }
0x85: {  	_ =	shalt  }
0x86: {  	_ =	shalt  }
0x87: {  	_ =	shalt  }
.Lfunc_end0:
.L_simem_size_0:
called_computation.1_lowered:
.L_overlay_start_0:
0x88: {  	s2 =	sld [smem:$0x3FD9]  }
0x89: {  	s3 =	sld [smem:$0x3FFE];
	_ =	sdelay $0x1  }
0x8a: {  	s1 =	srdreg.scid  }
0x8b: {  	s0 =	sand.u32 $0x1, s1  }
0x8c: {  	s16 =	sshll.u32 s0, $0xA;
	s2 =	sadd.s32 s3, s2  }
0x8d: {  	s2 =	sadd.s32 s2, s16  }
0x8e: {  	[smem:$0x3FBC] =	sst s2  }
0x8f: {  	_ = 	snop  }
0x90: {  	(tm) =	ssettm $0x1  }
0x91: {  	s17 =	sld [smem:$0x3FFB];
	_ =	sdelay $0x3  }
0x92: {  	_ =	strace s17  }
0x93: {  	s2 =	sld [smem:$0x3FFC];
	_ =	sdelay $0x3  }
0x94: {  	_ =	strace s2  }
0x95: {  	s2 =	sld [smem:$0x3FFD];
	_ =	sdelay $0x3  }
0x96: {  	_ =	strace s2  }
0x97: {  	_ =	strace $0x8FFFFFFF  }
0x98: {  	s18 =	sld [smem:$0x3FDB];
	_ =	sdelay $0x1  }
0x99: {  	s19 =	simm.s32 $_scs_section_size  }
0x9a: {  	s4 =	simm.s32 $_size__tile_overlayer_lowered;
	s5 =	simm.s32 $_tile_overlayer_lowered  }
0x9b: {  	s22 =	simm.s32 $0x1BFF;
	s21 =	sshll.u32 s5, $0x1;
	s2 =	sadd.s32 s19, s18  }
0x9c: {  	s6 =	simm.s32 $0x0;
	s20 =	sshll.u32 s4, $0x1;
	s4 =	sadd.s32 s21, s2  }
0x9d: {  	[timem:s6], [sflag:s22] =	dma.local [hbm:s4], s20  }
0x9e: {  	_ =	swait.ge [sflag:s22], s20  }
0x9f: {  	s3 =	ssub.s32 $0x0, s20;
	[sflag:s22] =	ssyncset.done $0x0  }
0xa0: {  	[sflag:s22] =	ssyncadd.s32 s3;
	_ =	sdelay $0x1  }
0xa1: {  	s23 =	simm.s32 $0x1B8B  }
0xa2: {  	_ =	swait.ge [sflag:s23], $0x1  }
0xa3: {  	[sflag:s23] =	ssyncset.done $0x0  }
0xa4: {  	s25 =	simm.s32 $0x1B8E;
	s24 =	sld [smem:$0x3FFE];
	[sflag:s23] =	ssyncadd.s32 $0xFFFFFFFF  }
0xa5: {  	s26 =	simm.s32 $execute0_lowered;
	[smem:$0x3FD2] =	sst s25  }
0xa6: {  	s4 =	sshll.u32 s26, $0x1;
	_ =	strace $0x80000046;
	[dreg:$0x1] =	wrdreg $0xFFFFFFFF  }
0xa7: {  	s28 =	simm.s32 $_size_execute0_lowered;
	s2 =	sadd.s32 s2, s4;
	[dreg:$0x0] =	wrdreg $0x0  }
0xa8: {  	s4 =	sshll.u32 s28, $0x1;
	[dreg:$0x2] =	wrdreg s2  }
0xa9: {  	[dreg:$0x3] =	wrdreg s4  }
0xaa: {  	[dreg:$0x4] =	wrdreg $0xC0  }
0xab: {  	_ =	task [dreg:s6], $0x5FFFF  }
0xac: {  	[dreg:$0x1] =	wrdreg $0xFFFFFFFF  }
0xad: {  	[dreg:$0x0] =	wrdreg $0x60  }
0xae: {  	[dreg:$0x2] =	wrdreg s24  }
0xaf: {  	[dreg:$0x3] =	wrdreg $0xA  }
0xb0: {  	_ =	task.clear_ibuf [dreg:s6], $0x4FFFF;
	_ =	strace $0x90000046  }
0xb1: {  	s29 =	simm.s32 $0xA;
	_ =	strace $0x80000048  }
0xb2: {  	_ =	swait.ge [sflag:s29], $0x1  }
0xb3: {  	[sflag:s29] =	ssyncadd.s32 $0xFFFFFFFF  }
0xb4: {  	_ =	strace $0x90000048  }
0xb5: {  	_ =	sfence  }
0xb6: {  	s30 =	sld [smem:$0x0];
	_ =	sdelay $0x2  }
0xb7: {  	s31 =	sshll.u32 s1, $0xD;
	s1 =	sshrl.u32 s1, $0x2  }
0xb8: {  	s3 =	sand.u32 $0x4000, s31;
	s1 =	sadd.s32 s1, s30  }
0xb9: {  	s0 =	sor.u32 s3, s0;
	s1 =	sshll.u32 s1, $0x11  }
0xba: {  	s0 =	sor.u32 s1, s0  }
0xbb: {  	s0 =	sadd.s32 $0x8F2B, s0  }
0xbc: {  	[sflag:s0] =	ssyncadd.remote.s32 $0x1  }
0xbd: {  	_ =	sfence.sel $0xFFFF  }
0xbe: {  	[dreg:$0x0] =	wrdreg $0xFFFFFFFF;
	(pc) =	sbr.abs _section_cstart, $3  }
0xbf: {  	[dreg:$0x1] =	wrdreg $0xFFFFFFFF  }
0xc0: {  	_ =	task.clear_ibuf [dreg:s6], $0x2FFFF;
	_ =	strace $0x9FFFFFFF  }
0xc1: {  	(tm) =	ssettm $0x7FFFFFFF  }
tec
execute0_lowered:
.L_overlay_start_1:
0x0: {  	(tag) =	ssettag $0x1  }
0x1: {  	s1 =	srdreg.scid  }
0x2: {  	s0 =	stileid.u32;
	s14 =	sand.u32 $0x1, s1  }
0x3: {  	s29 =	sshll.u32 s0, $0xA;
	s2 =	sshll.u32 s14, $0x9  }
0x4: {  	s15 =	rddreg [dreg:$0x0];
	s16 =	sor.u32 s2, s29  }
0x5: {  	s1 =	rddreg [dreg:$0x1];
	s2 =	simm.s32 $0x0;
	s3 =	sshrl.u32 s16, $0x3  }
0x6: {  	[smem:$0x7FF] =	sst s2;
	s3 =	sadd.s32 s3, s15  }
0x7: {  	_ =	strace $0x80000047;
	s4 =	sadd.s32 $0x2C00, s3;
	s3 =	simm.s32 $0x2  }
0x8: {  	[tilespmem:s2], [sflag:$0x2] =	stream.linear.gather [hbm4b:s4+s2], $0x200, $0x38;
	[tilespmem:$0x10200] =	vst v63  }
0x9: {  	_ =	swait.ge [sflag:s3], $0x200  }
0xa: {  	s6 =	simm.s32 $0x80;
	[sflag:s3] =	ssyncset.done $0x0  }
0xb: {  	s7 =	simm.s32 $0x200;
	s5 =	sadd.s32 $0x3400, s15;
	[sflag:s3] =	ssyncadd.s32 $0xFFFFFE00  }
0xc: {  	[tilespmem:s7], [sflag:$0x1] =	stream.indirect.gather [hbm4b:s5+s6], $0x80, s2, s6, $0xb8;
	[tilespmem:$0x10200] =	vst v63  }
0xd: {  	s8 =	simm.s32 $0x4200  }
0xe: {  	[tilespmem:s8], [sflag:$0x1] =	stream.indirect.gather [hbm4b:s5+s6], $0x80, s6, s6, $0xb8;
	[tilespmem:$0x10200] =	vst v63  }
0xf: {  	s9 =	simm.s32 $0x100;
	s10 =	simm.s32 $0x8200  }
0x10: {  	[tilespmem:s10], [sflag:$0x1] =	stream.indirect.gather [hbm4b:s5+s6], $0x80, s9, s6, $0xb8;
	[tilespmem:$0x10200] =	vst v63  }
0x11: {  	s11 =	simm.s32 $0x180;
	s12 =	simm.s32 $0xC200;
	s13 =	simm.s32 $0x1  }
0x12: {  	[tilespmem:s12], [sflag:$0x1] =	stream.indirect.gather [hbm4b:s5+s6], $0x80, s11, s6, $0xb8;
	[tilespmem:$0x10200] =	vst v63  }
0x13: {  	_ =	swait.ge [sflag:s13], $0x4000  }
0x14: {  	[sflag:s13] =	ssyncset.done $0x0  }
0x15: {  	[sflag:s13] =	ssyncadd.s32 $0xFFFFC000  }
0x16: {  	_ =	swait.ge [sflag:s13], $0x4000  }
0x17: {  	[sflag:s13] =	ssyncset.done $0x0  }
0x18: {  	s14 =	ssub.s32 $0x2, s14;
	[sflag:s13] =	ssyncadd.s32 $0xFFFFC000  }
0x19: {  	s17 =	sshrl.u32 s14, $0x1;
	_ =	swait.ge [sflag:s13], $0x4000  }
0x1a: {  	s30 =	ssub.s32 s14, s17;
	[sflag:s13] =	ssyncset.done $0x0  }
0x1b: {  	s31 =	smax.u32 s30, $0x1;
	[sflag:s13] =	ssyncadd.s32 $0xFFFFC000  }
0x1c: {  	s16 =	sshll.u32 s16, $0x4;
	p0 =	sne.s32 s31, $0x1;
	_ =	swait.ge [sflag:s13], $0x4000  }
.Ltmp0:
0x1d: {  	s15 =	sadd.s32 s16, s15;
	[sflag:s13] =	ssyncset.done $0x0;
	(pc) =	sbr.rel @!p0 .LBB2_2-.Ltmp0, $4  }
0x1e: {  	s14 =	sadd.s32 $0x3E3400, s15;
	[sflag:s13] =	ssyncadd.s32 $0xFFFFC000  }
0x1f: {  	[hbm4b:s14+s2] =	stream.linear.scatter [tilespmem:s7], [sflag:$0x2], $0x10000, $0x38;
	[tilespmem:$0x10200] =	vst v63  }
0x20: {  	_ =	swait.ge [sflag:s3], $0x10000  }
0x21: {  	s15 =	sadd.s32 $0xFFFFFFFF, s31;
	[sflag:s3] =	ssyncset.done $0x0  }
.LBB2_1:
0x22: {  	p0 =	sne.s32 s15, $0x1;
	s15 =	sadd.s32 $0xFFFFFFFF, s15;
	[sflag:s3] =	ssyncadd.s32 $0xFFFF0000  }
0x23: {  	[tilespmem:s2], [sflag:$0x2] =	stream.linear.gather [hbm4b:s4+s2], $0x200, $0x38;
	[tilespmem:$0x10200] =	vst v63  }
0x24: {  	_ =	swait.ge [sflag:s3], $0x200  }
0x25: {  	[sflag:s3] =	ssyncset.done $0x0  }
0x26: {  	[sflag:s3] =	ssyncadd.s32 $0xFFFFFE00  }
0x27: {  	[tilespmem:s7], [sflag:$0x1] =	stream.indirect.gather [hbm4b:s5+s6], $0x80, s2, s6, $0xb8;
	[tilespmem:$0x10200] =	vst v63  }
0x28: {  	_ = 	snop  }
0x29: {  	[tilespmem:s8], [sflag:$0x1] =	stream.indirect.gather [hbm4b:s5+s6], $0x80, s6, s6, $0xb8;
	[tilespmem:$0x10200] =	vst v63  }
0x2a: {  	_ = 	snop  }
0x2b: {  	[tilespmem:s10], [sflag:$0x1] =	stream.indirect.gather [hbm4b:s5+s6], $0x80, s9, s6, $0xb8;
	[tilespmem:$0x10200] =	vst v63  }
0x2c: {  	_ = 	snop  }
0x2d: {  	[tilespmem:s12], [sflag:$0x1] =	stream.indirect.gather [hbm4b:s5+s6], $0x80, s11, s6, $0xb8;
	[tilespmem:$0x10200] =	vst v63  }
0x2e: {  	_ =	swait.ge [sflag:s13], $0x4000  }
0x2f: {  	[sflag:s13] =	ssyncset.done $0x0  }
0x30: {  	[sflag:s13] =	ssyncadd.s32 $0xFFFFC000  }
0x31: {  	_ =	swait.ge [sflag:s13], $0x4000  }
0x32: {  	[sflag:s13] =	ssyncset.done $0x0  }
0x33: {  	[sflag:s13] =	ssyncadd.s32 $0xFFFFC000  }
0x34: {  	_ =	swait.ge [sflag:s13], $0x4000  }
0x35: {  	[sflag:s13] =	ssyncset.done $0x0  }
0x36: {  	[sflag:s13] =	ssyncadd.s32 $0xFFFFC000  }
0x37: {  	_ =	swait.ge [sflag:s13], $0x4000  }
.Ltmp1:
0x38: {  	[sflag:s13] =	ssyncset.done $0x0;
	(pc) =	sbr.rel @p0 .LBB2_1-.Ltmp1, $4  }
0x39: {  	[sflag:s13] =	ssyncadd.s32 $0xFFFFC000  }
0x3a: {  	[hbm4b:s14+s2] =	stream.linear.scatter [tilespmem:s7], [sflag:$0x2], $0x10000, $0x38;
	[tilespmem:$0x10200] =	vst v63  }
0x3b: {  	_ =	swait.ge [sflag:s3], $0x10000  }
0x3c: {  	[sflag:s3] =	ssyncset.done $0x0  }
.LBB2_2:
0x3d: {  	[sflag:s3] =	ssyncadd.s32 $0xFFFF0000  }
0x3e: {  	_ =	sfence.sel $0x180000  }
0x3f: {  	[bflag:$0x0] =	sbarrier.arrive $0xFFFF  }
0x40: {  	p0 =	sne.s32 s0, $0x0;
	_ =	strace $0x90000047  }
0x41: {  	s0 =	sadd.s32 @!p0 $0x100000, s1;
	[bflag:$0x2] =	sbarrier.arrive $0xFFFF  }
0x42: {  	[sflag:s0] =	ssyncadd.tile.s32 @!p0 $0x1;
	_ =	shalt  }
.Lfunc_end2:
_tile_overlayer_lowered:
.L_overlay_start_2:
0x43: {  	(tag) =	ssettag $0x2  }
0x44: {  	s0 =	rddreg [dreg:$0x0];
	s2 =	stileid.u32  }
0x45: {  	s1 =	rddreg [dreg:$0x1];
	p0 =	sne.s32 s2, $0x0  }
0x46: {  	s3 =	rddreg [dreg:$0x2];
	[bflag:$0x3] =	sbarrier.arrive $0xFFFF;
	s2 =	simm.s32 @!p0 $0x1C02  }
0x47: {  	[timem:s3], [sflag:s2] =	dma.local @!p0 [hbm:s0], s1  }
0x48: {  	s0 =	simm.s32 @!p0 $0x2  }
0x49: {  	_ =	swait.ge @!p0 [sflag:s0], s1  }
0x4a: {  	s1 =	ssub.s32 @!p0 $0x0, s1;
	[sflag:s0] =	ssyncset.done @!p0 $0x0  }
0x4b: {  	[sflag:s0] =	ssyncadd.s32 @!p0 s1  }
0x4c: {  	[bflag:$0x3] =	sbarrier.arrive $0xFFFF  }
0x4d: {  	_ =	shalt  }

// kernel: kernel.7.cloned.1.call-start
scs
__scs_entry_jumppad:
0x0: {  	(pc) =	sbr.rel $0x88, $3  }
0x1: {  	(tag) =	ssettag $0x0;
	lr =	simm.s32 $0x1  }
0x2: {  	[smem:$0x3F95] =	sst lr;
	_ =	strace $0xD0000000  }
0x3: {  	_ = 	snop  }
0x4: {  	_ = 	snop  }
0x5: {  	_ = 	snop  }
0x6: {  	_ = 	snop  }
0x7: {  	_ = 	snop  }
__scs_overlays_trampoline_lowered:
0x8: {  	[smem:$0x3FA4] =	sst s0  }
0x9: {  	[smem:$0x3FA5] =	sst s1  }
0xa: {  	[smem:$0x3FA6] =	sst s2  }
0xb: {  	[smem:$0x3FA7] =	sst s3  }
0xc: {  	[smem:$0x3FA8] =	sst s4  }
0xd: {  	[smem:$0x3FA9] =	sst s5  }
0xe: {  	[smem:$0x3FAA] =	sst s6  }
0xf: {  	[smem:$0x3FAB] =	sst s7  }
0x10: {  	[smem:$0x3FAC] =	sst s8  }
0x11: {  	[smem:$0x3FAD] =	sst s9;
	s0 =	simm.s32 @!p0 $0x0  }
0x12: {  	s1 =	sld [smem:$0x3F93];
	s0 =	simm.s32 @p0 $0x1  }
0x13: {  	[smem:$0x3FAE] =	sst s0;
	s0 =	simm.s32 @!p1 $0x0  }
0x14: {  	s2 =	sld [smem:$0x3F92];
	s0 =	simm.s32 @p1 $0x1  }
0x15: {  	[smem:$0x3FAF] =	sst s0;
	s0 =	simm.s32 @!p2 $0x0  }
0x16: {  	s3 =	sld [smem:$0x3FDB];
	s0 =	simm.s32 @p2 $0x1  }
0x17: {  	s4 =	simm.s32 $0x1BF5;
	[smem:$0x3FB1] =	sst s0  }
0x18: {  	s0 =	sld [smem:$0x3F94];
	_ =	swait.ge [sflag:s4], $0x0  }
0x19: {  	s7 =	sld [smem:$0x3F95]  }
0x1a: {  	s8 =	sadd.s32 $0xFFFFE003, lr  }
0x1b: {  	s9 =	sadd.s32 $0xFFFFFEF7, lr;
	s5 =	simm.s32 $0xFFFFFFFF;
	p2 =	slt.u32 s8, $0xFFFFF086  }
0x1c: {  	p1 =	slt.u32 s9, $0xF7A;
	s5 =	simm.s32 @!p2 $0x0  }
0x1d: {  	s5 =	simm.s32 @p1 $0x1;
	p0 =	seq.s32 s7, s2  }
0x1e: {  	s7 =	smul.u32 @!p0 $0xF7A, s2;
	p2 =	seq.s32 @!p0 s5, $0x0  }
0x1f: {  	s9 =	smul.u32 $0xF7A, s1;
	s8 =	simm.s32 @!p0 $0x1BF5;
	p2 =	por !p2, p0  }
0x20: {  	[sflag:s8] =	ssyncset.s32 @!p0 $0xFFFFF086;
	s6 =	sadd.s32 @!p0 s3, s7;
	s7 =	simm.s32 @!p0 $0x108  }
0x21: {  	s3 =	sadd.s32 s3, s9;
	s6 =	sadd.s32 @!p0 $0x88, s6;
	s7 =	simm.s32 @p2 $0x1082  }
0x22: {  	[simem:s7], [sflag:s8] =	dma.local @!p0 [hbm:s6], $0xF7A  }
0x23: {  	s9 =	sor.u32 $0xD0000000, s2;
	s6 =	simm.s32 $0x108;
	_ =	swait.ge @!p0 [sflag:s8], $0x0  }
0x24: {  	s3 =	sadd.s32 $0x88, s3;
	s6 =	simm.s32 @!p1 $0x1082;
	[sflag:s4] =	ssyncset.s32 $0xFFFFF086  }
0x25: {  	[simem:s6], [sflag:s4] =	dma.local [hbm:s3], $0xF7A  }
0x26: {  	[smem:$0x3F95] =	sst s1;
	(tag) =	ssettag s2;
	_ =	strace s9  }
0x27: {  	s1 =	sld [smem:$0x3FA5]  }
0x28: {  	s2 =	sld [smem:$0x3FA6]  }
0x29: {  	s4 =	sld [smem:$0x3FA8]  }
0x2a: {  	p0 =	seq.s32 s5, $0x0;
	s5 =	sld [smem:$0x3FA9]  }
0x2b: {  	s6 =	sld [smem:$0x3FAA]  }
0x2c: {  	s7 =	sld [smem:$0x3FAB]  }
0x2d: {  	s3 =	simm.s32 $0x108;
	s8 =	sld [smem:$0x3FAC]  }
0x2e: {  	s3 =	simm.s32 @!p0 $0x1082;
	s9 =	sld [smem:$0x3FAD]  }
0x2f: {  	lr =	sadd.s32 s0, s3;
	s0 =	sld [smem:$0x3FA4]  }
0x30: {  	s3 =	sld [smem:$0x3FA7]  }
0x31: {  	[smem:$0x3FB0] =	sst s10  }
0x32: {  	s10 =	sld [smem:$0x3FAE];
	_ =	sdelay $0x3  }
0x33: {  	p0 =	seq.s32 s10, $0x1;
	s10 =	sld [smem:$0x3FB0];
	_ =	sdelay $0x3  }
0x34: {  	[smem:$0x3FB0] =	sst s10  }
0x35: {  	s10 =	sld [smem:$0x3FAF];
	_ =	sdelay $0x3  }
0x36: {  	p1 =	seq.s32 s10, $0x1;
	s10 =	sld [smem:$0x3FB0];
	_ =	sdelay $0x3  }
0x37: {  	[smem:$0x3FB0] =	sst s10  }
0x38: {  	s10 =	sld [smem:$0x3FB1]  }
0x39: {  	_ = 	snop;
	(pc) =	sbr.ind lr, $3  }
0x3a: {  	_ = 	snop  }
0x3b: {  	_ = 	snop  }
0x3c: {  	p2 =	seq.s32 s10, $0x1;
	s10 =	sld [smem:$0x3FB0]  }
0x3d: {  	_ =	shalt  }
0x3e: {  	_ =	shalt  }
0x3f: {  	_ =	shalt  }
0x40: {  	_ =	shalt  }
0x41: {  	_ =	shalt  }
0x42: {  	_ =	shalt  }
0x43: {  	_ =	shalt  }
0x44: {  	_ =	shalt  }
0x45: {  	_ =	shalt  }
0x46: {  	_ =	shalt  }
0x47: {  	_ =	shalt  }
0x48: {  	_ =	shalt  }
0x49: {  	_ =	shalt  }
0x4a: {  	_ =	shalt  }
0x4b: {  	_ =	shalt  }
0x4c: {  	_ =	shalt  }
0x4d: {  	_ =	shalt  }
0x4e: {  	_ =	shalt  }
0x4f: {  	_ =	shalt  }
0x50: {  	_ =	shalt  }
0x51: {  	_ =	shalt  }
0x52: {  	_ =	shalt  }
0x53: {  	_ =	shalt  }
0x54: {  	_ =	shalt  }
0x55: {  	_ =	shalt  }
0x56: {  	_ =	shalt  }
0x57: {  	_ =	shalt  }
0x58: {  	_ =	shalt  }
0x59: {  	_ =	shalt  }
0x5a: {  	_ =	shalt  }
0x5b: {  	_ =	shalt  }
0x5c: {  	_ =	shalt  }
0x5d: {  	_ =	shalt  }
0x5e: {  	_ =	shalt  }
0x5f: {  	_ =	shalt  }
0x60: {  	_ =	shalt  }
0x61: {  	_ =	shalt  }
0x62: {  	_ =	shalt  }
0x63: {  	_ =	shalt  }
0x64: {  	_ =	shalt  }
0x65: {  	_ =	shalt  }
0x66: {  	_ =	shalt  }
0x67: {  	_ =	shalt  }
0x68: {  	_ =	shalt  }
0x69: {  	_ =	shalt  }
0x6a: {  	_ =	shalt  }
0x6b: {  	_ =	shalt  }
0x6c: {  	_ =	shalt  }
0x6d: {  	_ =	shalt  }
0x6e: {  	_ =	shalt  }
0x6f: {  	_ =	shalt  }
0x70: {  	_ =	shalt  }
0x71: {  	_ =	shalt  }
0x72: {  	_ =	shalt  }
0x73: {  	_ =	shalt  }
0x74: {  	_ =	shalt  }
0x75: {  	_ =	shalt  }
0x76: {  	_ =	shalt  }
0x77: {  	_ =	shalt  }
0x78: {  	_ =	shalt  }
0x79: {  	_ =	shalt  }
0x7a: {  	_ =	shalt  }
0x7b: {  	_ =	shalt  }
0x7c: {  	_ =	shalt  }
0x7d: {  	_ =	shalt  }
0x7e: {  	_ =	shalt  }
0x7f: {  	_ =	shalt  }
0x80: {  	_ =	shalt  }
0x81: {  	_ =	shalt  }
0x82: {  	_ =	shalt  }
0x83: {  	_ =	shalt  }
0x84: {  	_ =	shalt  }
0x85: {  	_ =	shalt  }
0x86: {  	_ =	shalt  }
0x87: {  	_ =	shalt  }
.Lfunc_end0:
.L_simem_size_0:
called_computation_lowered:
.L_overlay_start_0:
0x88: {  	s2 =	sld [smem:$0x3FD9]  }
0x89: {  	s3 =	sld [smem:$0x3FFE];
	_ =	sdelay $0x1  }
0x8a: {  	s1 =	srdreg.scid  }
0x8b: {  	s0 =	sand.u32 $0x1, s1  }
0x8c: {  	s17 =	sshll.u32 s0, $0xA;
	s2 =	sadd.s32 s3, s2  }
0x8d: {  	s2 =	sadd.s32 s2, s17  }
0x8e: {  	[smem:$0x3FBC] =	sst s2  }
0x8f: {  	_ = 	snop  }
0x90: {  	s18 =	sld [smem:$0x3FD0];
	(tm) =	ssettm $0x1  }
0x91: {  	s19 =	sld [smem:$0x3FFB];
	_ =	sdelay $0x3  }
0x92: {  	_ =	strace s19  }
0x93: {  	s2 =	sld [smem:$0x3FFC];
	_ =	sdelay $0x3  }
0x94: {  	_ =	strace s2  }
0x95: {  	s2 =	sld [smem:$0x3FFD];
	_ =	sdelay $0x3  }
0x96: {  	_ =	strace s2  }
0x97: {  	_ =	strace $0x8FFFFFFF  }
0x98: {  	s20 =	sld [smem:$0x3FDB];
	_ =	sdelay $0x1  }
0x99: {  	s4 =	simm.s32 $_scs_section_size  }
0x9a: {  	s5 =	simm.s32 $_size__tile_overlayer_lowered;
	s6 =	simm.s32 $_tile_overlayer_lowered  }
0x9b: {  	s7 =	simm.s32 $0x1BFF;
	s21 =	sshll.u32 s6, $0x1;
	s4 =	sadd.s32 s4, s20  }
0x9c: {  	s22 =	simm.s32 $0x0;
	s5 =	sshll.u32 s5, $0x1;
	s6 =	sadd.s32 s21, s4  }
0x9d: {  	[timem:s22], [sflag:s7] =	dma.local [hbm:s6], s5  }
0x9e: {  	_ =	swait.ge [sflag:s7], s5  }
0x9f: {  	s5 =	ssub.s32 $0x0, s5;
	[sflag:s7] =	ssyncset.done $0x0  }
0xa0: {  	[sflag:s7] =	ssyncadd.s32 s5;
	_ =	sdelay $0x1  }
0xa1: {  	s23 =	simm.s32 $0x1B8B  }
0xa2: {  	_ =	swait.ge [sflag:s23], $0x1  }
0xa3: {  	[sflag:s23] =	ssyncset.done $0x0  }
0xa4: {  	[sflag:s23] =	ssyncadd.s32 $0xFFFFFFFF  }
0xa5: {  	s5 =	sld [smem:$0x0]  }
0xa6: {  	s6 =	sand.u32 $0xFFFFFFFE, s1  }
0xa7: {  	p0 =	sne.s32 s1, s6  }
0xa8: {  	s6 =	sshll.u32 @p0 s6, $0xE  }
0xa9: {  	s6 =	sadd.s32 @p0 $0x11B8D, s6;
	s7 =	sshll.u32 @p0 s5, $0x11  }
0xaa: {  	s6 =	sor.u32 @p0 s7, s6  }
0xab: {  	[sflag:s6] =	ssyncadd.remote.s32 @p0 $0x1;
	_ =	sdelay $0x1  }
0xac: {  	s6 =	simm.s32 @p0 $0x1B8D  }
0xad: {  	_ =	swait.eq @p0 [sflag:s6], $0x1  }
0xae: {  	[sflag:s6] =	ssyncadd.s32 @p0 $0xFFFFFFFF  }
0xaf: {  	s7 =	sshll.u32 @!p0 s1, $0xE  }
0xb0: {  	s7 =	sor.u32 @!p0 $0x4000, s7;
	s6 =	simm.s32 @!p0 $0x1B8D  }
0xb1: {  	s5 =	sshll.u32 @!p0 s5, $0x11;
	s7 =	sadd.s32 @!p0 $0x11B8D, s7;
	_ =	swait.eq @!p0 [sflag:s6], $0x1  }
0xb2: {  	s5 =	sor.u32 @!p0 s5, s7;
	[sflag:s6] =	ssyncadd.s32 @!p0 $0xFFFFFFFF  }
0xb3: {  	s25 =	simm.s32 $0x1B8E;
	s24 =	sld [smem:$0x3FFE];
	[sflag:s5] =	ssyncadd.remote.s32 @!p0 $0x1  }
0xb4: {  	s26 =	simm.s32 $execute0_lowered;
	[smem:$0x3FD2] =	sst s25  }
0xb5: {  	s6 =	sshll.u32 s26, $0x1;
	_ =	strace $0x80000049;
	[dreg:$0x1] =	wrdreg $0xFFFFFFFF  }
0xb6: {  	s28 =	simm.s32 $_size_execute0_lowered;
	s4 =	sadd.s32 s4, s6;
	[dreg:$0x0] =	wrdreg $0x0  }
0xb7: {  	s6 =	sshll.u32 s28, $0x1;
	[dreg:$0x2] =	wrdreg s4  }
0xb8: {  	[dreg:$0x3] =	wrdreg s6  }
0xb9: {  	[dreg:$0x4] =	wrdreg $0xC0  }
0xba: {  	_ =	task [dreg:s22], $0x5FFFF  }
0xbb: {  	[dreg:$0x1] =	wrdreg $0xFFFFFFFF  }
0xbc: {  	[dreg:$0x0] =	wrdreg $0x60  }
0xbd: {  	[dreg:$0x2] =	wrdreg s24  }
0xbe: {  	[dreg:$0x3] =	wrdreg s18  }
0xbf: {  	[dreg:$0x4] =	wrdreg $0x9  }
0xc0: {  	_ =	task.clear_ibuf [dreg:s22], $0x5FFFF;
	_ =	strace $0x90000049  }
0xc1: {  	s29 =	simm.s32 $0x9;
	_ =	strace $0x8000004B  }
0xc2: {  	_ =	swait.ge [sflag:s29], $0x1  }
0xc3: {  	[sflag:s29] =	ssyncadd.s32 $0xFFFFFFFF  }
0xc4: {  	_ =	strace $0x9000004B  }
0xc5: {  	_ =	sfence  }
0xc6: {  	s30 =	sld [smem:$0x0];
	_ =	sdelay $0x2  }
0xc7: {  	s31 =	sshll.u32 s1, $0xD;
	s1 =	sshrl.u32 s1, $0x2  }
0xc8: {  	s4 =	sand.u32 $0x4000, s31;
	s1 =	sadd.s32 s1, s30  }
0xc9: {  	s0 =	sor.u32 s4, s0;
	s1 =	sshll.u32 s1, $0x11  }
0xca: {  	s0 =	sor.u32 s1, s0  }
0xcb: {  	s0 =	sadd.s32 $0x8F2B, s0  }
0xcc: {  	[sflag:s0] =	ssyncadd.remote.s32 $0x1  }
0xcd: {  	_ =	sfence.sel $0xFFFF  }
0xce: {  	[dreg:$0x0] =	wrdreg $0xFFFFFFFF;
	(pc) =	sbr.abs _section_cstart, $3  }
0xcf: {  	[dreg:$0x1] =	wrdreg $0xFFFFFFFF  }
0xd0: {  	_ =	task.clear_ibuf [dreg:s22], $0x2FFFF;
	_ =	strace $0x9FFFFFFF  }
0xd1: {  	(tm) =	ssettm $0x7FFFFFFF  }
tec
execute0_lowered:
.L_overlay_start_1:
0x0: {  	(tag) =	ssettag $0x1  }
0x1: {  	s1 =	srdreg.scid  }
0x2: {  	s14 =	rddreg [dreg:$0x0];
	s0 =	stileid.u32;
	s15 =	sand.u32 $0x1, s1  }
0x3: {  	s3 =	rddreg [dreg:$0x1];
	s4 =	sshll.u32 s0, $0xA;
	s5 =	sshll.u32 s15, $0x9  }
0x4: {  	s2 =	simm.s32 $0x0;
	s1 =	rddreg [dreg:$0x2];
	s16 =	sor.u32 s5, s4  }
0x5: {  	[smem:$0x7FF] =	sst s2;
	s4 =	sshrl.u32 s16, $0x3  }
0x6: {  	_ =	strace $0x8000004A;
	s4 =	sadd.s32 s3, s4;
	s3 =	simm.s32 $0x2  }
0x7: {  	[tilespmem:s2], [sflag:$0x2] =	stream.linear.gather [hbm4b:s4+s2], $0x200, $0x38;
	[tilespmem:$0x10200] =	vst v63  }
0x8: {  	_ =	swait.ge [sflag:s3], $0x200  }
0x9: {  	s6 =	simm.s32 $0x80;
	[sflag:s3] =	ssyncset.done $0x0  }
0xa: {  	s7 =	simm.s32 $0x200;
	s5 =	sadd.s32 $0x423400, s14;
	[sflag:s3] =	ssyncadd.s32 $0xFFFFFE00  }
0xb: {  	[tilespmem:s7], [sflag:$0x1] =	stream.indirect.gather [hbm4b:s5+s6], $0x80, s2, s6, $0xb8;
	[tilespmem:$0x10200] =	vst v63  }
0xc: {  	s8 =	simm.s32 $0x4200  }
0xd: {  	[tilespmem:s8], [sflag:$0x1] =	stream.indirect.gather [hbm4b:s5+s6], $0x80, s6, s6, $0xb8;
	[tilespmem:$0x10200] =	vst v63  }
0xe: {  	s9 =	simm.s32 $0x100;
	s10 =	simm.s32 $0x8200  }
0xf: {  	[tilespmem:s10], [sflag:$0x1] =	stream.indirect.gather [hbm4b:s5+s6], $0x80, s9, s6, $0xb8;
	[tilespmem:$0x10200] =	vst v63  }
0x10: {  	s11 =	simm.s32 $0x180;
	s12 =	simm.s32 $0xC200;
	s13 =	simm.s32 $0x1  }
0x11: {  	[tilespmem:s12], [sflag:$0x1] =	stream.indirect.gather [hbm4b:s5+s6], $0x80, s11, s6, $0xb8;
	[tilespmem:$0x10200] =	vst v63  }
0x12: {  	_ =	swait.ge [sflag:s13], $0x4000  }
0x13: {  	[sflag:s13] =	ssyncset.done $0x0  }
0x14: {  	[sflag:s13] =	ssyncadd.s32 $0xFFFFC000  }
0x15: {  	_ =	swait.ge [sflag:s13], $0x4000  }
0x16: {  	[sflag:s13] =	ssyncset.done $0x0  }
0x17: {  	s15 =	ssub.s32 $0x2, s15;
	[sflag:s13] =	ssyncadd.s32 $0xFFFFC000  }
0x18: {  	s17 =	sshrl.u32 s15, $0x1;
	_ =	swait.ge [sflag:s13], $0x4000  }
0x19: {  	s15 =	ssub.s32 s15, s17;
	[sflag:s13] =	ssyncset.done $0x0  }
0x1a: {  	s15 =	smax.u32 s15, $0x1;
	[sflag:s13] =	ssyncadd.s32 $0xFFFFC000  }
0x1b: {  	s16 =	sshll.u32 s16, $0x4;
	p0 =	sne.s32 s15, $0x1;
	_ =	swait.ge [sflag:s13], $0x4000  }
.Ltmp0:
0x1c: {  	s14 =	sadd.s32 s16, s14;
	[sflag:s13] =	ssyncset.done $0x0;
	(pc) =	sbr.rel @!p0 .LBB2_2-.Ltmp0, $4  }
0x1d: {  	s14 =	sadd.s32 $0x803400, s14;
	[sflag:s13] =	ssyncadd.s32 $0xFFFFC000  }
0x1e: {  	[hbm4b:s14+s2] =	stream.linear.scatter [tilespmem:s7], [sflag:$0x2], $0x10000, $0x38;
	[tilespmem:$0x10200] =	vst v63  }
0x1f: {  	_ =	swait.ge [sflag:s3], $0x10000  }
0x20: {  	s15 =	sadd.s32 $0xFFFFFFFF, s15;
	[sflag:s3] =	ssyncset.done $0x0  }
.LBB2_1:
0x21: {  	p0 =	sne.s32 s15, $0x1;
	s15 =	sadd.s32 $0xFFFFFFFF, s15;
	[sflag:s3] =	ssyncadd.s32 $0xFFFF0000  }
0x22: {  	[tilespmem:s2], [sflag:$0x2] =	stream.linear.gather [hbm4b:s4+s2], $0x200, $0x38;
	[tilespmem:$0x10200] =	vst v63  }
0x23: {  	_ =	swait.ge [sflag:s3], $0x200  }
0x24: {  	[sflag:s3] =	ssyncset.done $0x0  }
0x25: {  	[sflag:s3] =	ssyncadd.s32 $0xFFFFFE00  }
0x26: {  	[tilespmem:s7], [sflag:$0x1] =	stream.indirect.gather [hbm4b:s5+s6], $0x80, s2, s6, $0xb8;
	[tilespmem:$0x10200] =	vst v63  }
0x27: {  	_ = 	snop  }
0x28: {  	[tilespmem:s8], [sflag:$0x1] =	stream.indirect.gather [hbm4b:s5+s6], $0x80, s6, s6, $0xb8;
	[tilespmem:$0x10200] =	vst v63  }
0x29: {  	_ = 	snop  }
0x2a: {  	[tilespmem:s10], [sflag:$0x1] =	stream.indirect.gather [hbm4b:s5+s6], $0x80, s9, s6, $0xb8;
	[tilespmem:$0x10200] =	vst v63  }
0x2b: {  	_ = 	snop  }
0x2c: {  	[tilespmem:s12], [sflag:$0x1] =	stream.indirect.gather [hbm4b:s5+s6], $0x80, s11, s6, $0xb8;
	[tilespmem:$0x10200] =	vst v63  }
0x2d: {  	_ =	swait.ge [sflag:s13], $0x4000  }
0x2e: {  	[sflag:s13] =	ssyncset.done $0x0  }
0x2f: {  	[sflag:s13] =	ssyncadd.s32 $0xFFFFC000  }
0x30: {  	_ =	swait.ge [sflag:s13], $0x4000  }
0x31: {  	[sflag:s13] =	ssyncset.done $0x0  }
0x32: {  	[sflag:s13] =	ssyncadd.s32 $0xFFFFC000  }
0x33: {  	_ =	swait.ge [sflag:s13], $0x4000  }
0x34: {  	[sflag:s13] =	ssyncset.done $0x0  }
0x35: {  	[sflag:s13] =	ssyncadd.s32 $0xFFFFC000  }
0x36: {  	_ =	swait.ge [sflag:s13], $0x4000  }
.Ltmp1:
0x37: {  	[sflag:s13] =	ssyncset.done $0x0;
	(pc) =	sbr.rel @p0 .LBB2_1-.Ltmp1, $4  }
0x38: {  	[sflag:s13] =	ssyncadd.s32 $0xFFFFC000  }
0x39: {  	[hbm4b:s14+s2] =	stream.linear.scatter [tilespmem:s7], [sflag:$0x2], $0x10000, $0x38;
	[tilespmem:$0x10200] =	vst v63  }
0x3a: {  	_ =	swait.ge [sflag:s3], $0x10000  }
0x3b: {  	[sflag:s3] =	ssyncset.done $0x0  }
.LBB2_2:
0x3c: {  	[sflag:s3] =	ssyncadd.s32 $0xFFFF0000  }
0x3d: {  	_ =	sfence.sel $0x180000  }
0x3e: {  	[bflag:$0x0] =	sbarrier.arrive $0xFFFF  }
0x3f: {  	p0 =	sne.s32 s0, $0x0;
	_ =	strace $0x9000004A  }
0x40: {  	s0 =	sadd.s32 @!p0 $0x100000, s1;
	[bflag:$0x2] =	sbarrier.arrive $0xFFFF  }
0x41: {  	[sflag:s0] =	ssyncadd.tile.s32 @!p0 $0x1;
	_ =	shalt  }
.Lfunc_end2:
_tile_overlayer_lowered:
.L_overlay_start_2:
0x42: {  	(tag) =	ssettag $0x2  }
0x43: {  	s0 =	rddreg [dreg:$0x0];
	s2 =	stileid.u32  }
0x44: {  	s1 =	rddreg [dreg:$0x1];
	p0 =	sne.s32 s2, $0x0  }
0x45: {  	s3 =	rddreg [dreg:$0x2];
	[bflag:$0x3] =	sbarrier.arrive $0xFFFF;
	s2 =	simm.s32 @!p0 $0x1C02  }
0x46: {  	[timem:s3], [sflag:s2] =	dma.local @!p0 [hbm:s0], s1  }
0x47: {  	s0 =	simm.s32 @!p0 $0x2  }
0x48: {  	_ =	swait.ge @!p0 [sflag:s0], s1  }
0x49: {  	s1 =	ssub.s32 @!p0 $0x0, s1;
	[sflag:s0] =	ssyncset.done @!p0 $0x0  }
0x4a: {  	[sflag:s0] =	ssyncadd.s32 @!p0 s1  }
0x4b: {  	[bflag:$0x3] =	sbarrier.arrive $0xFFFF  }
0x4c: {  	_ =	shalt  }

</sc_bundles>
